<compile_context>
chip_gen: v7x
topology: tpu7x:2x2x1
jax: 0.10.2.dev20260603
libtpu: 0.0.44.dev20260713+nightly
codegen_flags: <defaults>
</compile_context>

<pallas_src>
import functools

import jax
import jax.numpy as jnp
from jax import lax
from jax.experimental import pallas as pl
from jax.experimental.pallas import tpu as pltpu
from jax.experimental.pallas import tpu_sc as plsc

_N = 10000
_E = 160000
_NC, _NS = 2, 16
_NP = 10240
_WIN = 128
_NW_AGG = 79
_NW_SRC = 88
_CH = 16
_NACC = 10240
_NW_HIST = 40
_ROWS_T = _NACC // _NS
_R = 400
_BN_S = 0.9999950000374997

_vec_mesh = plsc.VectorSubcoreMesh(core_axis_name="c", subcore_axis_name="s")


@functools.partial(
    pl.kernel,
    out_type=jax.ShapeDtypeStruct((_NC, _NP), jnp.float32),
    mesh=_vec_mesh,
    scratch_types=[
        pltpu.VMEM((_NW_HIST, _WIN), jnp.int32),
        pltpu.VMEM((_WIN,), jnp.float32),
        pltpu.VMEM((_NP // _NS,), jnp.float32),
        pltpu.VMEM_SHARED((_NP,), jnp.float32),
    ],
)
def _deg_kernel(dst_hbm, out_hbm, idx_v, ones_v, stage_v, hist_sp):
    c = lax.axis_index("c")
    s = lax.axis_index("s")
    seg = _NP // _NS

    @pl.loop(0, _WIN // 16)
    def _(i):
        ones_v[pl.ds(i * 16, 16)] = jnp.ones((16,), jnp.float32)

    @pl.loop(0, seg // 16)
    def _(i):
        stage_v[pl.ds(i * 16, 16)] = jnp.zeros((16,), jnp.float32)

    pltpu.sync_copy(stage_v, hist_sp.at[pl.ds(s * seg, seg)])
    pltpu.sync_copy(dst_hbm.at[c * _NS + s], idx_v)
    plsc.subcore_barrier()
    pl.delay(500)
    plsc.subcore_barrier()

    @pl.loop(0, _NW_HIST)
    def _(w):
        pltpu.sync_copy(ones_v, hist_sp.at[idx_v.at[w]], add=True)

    plsc.subcore_barrier()
    pl.delay(500)
    plsc.subcore_barrier()
    pltpu.sync_copy(hist_sp.at[pl.ds(s * seg, seg)], stage_v)
    pltpu.sync_copy(stage_v, out_hbm.at[c, pl.ds(s * seg, seg)])


def _make_agg(nq):
    qpc = nq // _NC

    @functools.partial(
        pl.kernel,
        out_type=jax.ShapeDtypeStruct((nq, _NP, 128), jnp.float32),
        mesh=_vec_mesh,
        scratch_types=[
            pltpu.VMEM((_NW_AGG, _WIN), jnp.int32),
            pltpu.VMEM((_NW_AGG, _WIN), jnp.int32),
            pltpu.VMEM((_WIN, 128), jnp.float32),
            pltpu.VMEM_SHARED((_NACC, 128), jnp.float32),
        ],
    )
    def agg(table_hbm, srcq_hbm, dst_hbm, out_hbm, src_v, dst_v, rows_a, acc_sp):
        c = lax.axis_index("c")
        s = lax.axis_index("s")
        pltpu.sync_copy(dst_hbm.at[s], dst_v)
        for j in range(qpc):
            q = c * qpc + j
            pltpu.sync_copy(
                table_hbm.at[pl.ds(q * _NP + s * _ROWS_T, _ROWS_T)],
                acc_sp.at[pl.ds(s * _ROWS_T, _ROWS_T)],
            )
            pltpu.sync_copy(srcq_hbm.at[q, s], src_v)
            plsc.subcore_barrier()
            pl.delay(500)
            plsc.subcore_barrier()

            @pl.loop(0, _NW_AGG)
            def _(w):
                pltpu.sync_copy(table_hbm.at[src_v.at[w]], rows_a)
                pltpu.sync_copy(rows_a, acc_sp.at[dst_v.at[w]], add=True)

            plsc.subcore_barrier()
            pl.delay(500)
            plsc.subcore_barrier()
            pltpu.sync_copy(
                acc_sp.at[pl.ds(s * _ROWS_T, _ROWS_T)],
                out_hbm.at[q, pl.ds(s * _ROWS_T, _ROWS_T)],
            )
            if j + 1 < qpc:
                plsc.subcore_barrier()

    return agg


_agg4 = _make_agg(4)
_agg2 = _make_agg(2)


def _dinv_body(h_ref, o_ref):
    d = h_ref[0, :] + h_ref[1, :] + 1.0
    o_ref[...] = lax.rsqrt(d)[:, None]


def _dinv(hist):
    return pl.pallas_call(
        _dinv_body,
        out_shape=jax.ShapeDtypeStruct((_NP, 1), jnp.float32),
    )(hist)


def _mm_first(x, w, dinv):
    no = 4

    def body(x_ref, w_ref, dv_ref, o_ref):
        p = jnp.dot(x_ref[...], w_ref[...], preferred_element_type=jnp.float32)
        o_ref[0] = p * dv_ref[...]

    return pl.pallas_call(
        body,
        grid=(_N // _R, no),
        in_specs=[
            pl.BlockSpec((_R, 256), lambda i, o: (i, 0)),
            pl.BlockSpec((256, 128), lambda i, o: (0, o)),
            pl.BlockSpec((_R, 1), lambda i, o: (i, 0)),
        ],
        out_specs=pl.BlockSpec((1, _R, 128), lambda i, o: (o, i, 0)),
        out_shape=jax.ShapeDtypeStruct((no, _NP, 128), jnp.float32),
        compiler_params=pltpu.CompilerParams(
            dimension_semantics=("parallel", "parallel"),
        ),
    )(x, w, dinv)


def _mm_mid(agg, alpha, beta, w, dinv, no):

    def body(a_ref, al_ref, be_ref, w_ref, dv_ref, o_ref):
        acc = None
        for k in range(4):
            t = a_ref[k] * dv_ref[...] * al_ref[k] + be_ref[k]
            t = jnp.maximum(t, 0.0).astype(jnp.bfloat16)
            p = jnp.dot(t, w_ref[pl.ds(k * 128, 128), :],
                        preferred_element_type=jnp.float32)
            acc = p if acc is None else acc + p
        o_ref[0] = acc * dv_ref[...]

    return pl.pallas_call(
        body,
        grid=(_N // _R, no),
        in_specs=[
            pl.BlockSpec((4, _R, 128), lambda i, o: (0, i, 0)),
            pl.BlockSpec((4, 1, 128), lambda i, o: (0, 0, 0)),
            pl.BlockSpec((4, 1, 128), lambda i, o: (0, 0, 0)),
            pl.BlockSpec((512, 128), lambda i, o: (0, o)),
            pl.BlockSpec((_R, 1), lambda i, o: (i, 0)),
        ],
        out_specs=pl.BlockSpec((1, _R, 128), lambda i, o: (o, i, 0)),
        out_shape=jax.ShapeDtypeStruct((no, _NP, 128), jnp.float32),
        compiler_params=pltpu.CompilerParams(
            dimension_semantics=("parallel", "parallel"),
        ),
    )(agg, alpha, beta, w, dinv)


def _final(agg, dinv, b3):

    def body(a_ref, dv_ref, b_ref, o_ref):
        y0 = a_ref[0] * dv_ref[...] + b_ref[0][None, :]
        y1 = a_ref[1] * dv_ref[...] + b_ref[1][None, :]
        y = jnp.concatenate([y0, y1], axis=1)
        m = jnp.max(y, axis=1, keepdims=True)
        lse = jnp.log(jnp.sum(jnp.exp(y - m), axis=1, keepdims=True)) + m
        o_ref[...] = y - lse

    return pl.pallas_call(
        body,
        grid=(_N // _R,),
        in_specs=[
            pl.BlockSpec((2, _R, 128), lambda i: (0, i, 0)),
            pl.BlockSpec((_R, 1), lambda i: (i, 0)),
            pl.BlockSpec((2, 128), lambda i: (0, 0)),
        ],
        out_specs=pl.BlockSpec((_R, 256), lambda i: (i, 0)),
        out_shape=jax.ShapeDtypeStruct((_N, 256), jnp.float32),
    )(agg, dinv, b3)


def kernel(x, adj_t, W1, b1, W2, b2, W3, b3, g1, be1, g2, be2):
    src = adj_t[0]
    dst = adj_t[1]

    pad_a = _NS * _NW_AGG * _WIN - _E
    src_p = jnp.concatenate([src, jnp.zeros((pad_a,), jnp.int32)])
    trash = _N + (jnp.arange(pad_a, dtype=jnp.int32) % (_NACC - _N))
    dst_p = jnp.concatenate([dst, trash])
    src_t = src_p.reshape(_NS, _NW_AGG, _WIN)
    srcq = src_t[None] + (jnp.arange(4, dtype=jnp.int32) * _NP)[:, None, None, None]
    dst_agg = dst_p.reshape(_NS, _NW_AGG, _WIN)
    pad_h = _NC * _NS * _NW_HIST * _WIN - _E
    trash_h = _N + (jnp.arange(pad_h, dtype=jnp.int32) % (_NP - _N))
    dst_h = jnp.concatenate([dst, trash_h])
    dst_h = dst_h.reshape(_NC * _NS, _NW_HIST, _WIN)

    hist = _deg_kernel(dst_h)
    dinv = _dinv(hist)

    s = jnp.float32(_BN_S)
    a1 = (g1 * s).reshape(4, 1, 128)
    c1 = (b1 * g1 * s + be1).reshape(4, 1, 128)
    a2 = (g2 * s).reshape(4, 1, 128)
    c2 = (b2 * g2 * s + be2).reshape(4, 1, 128)

    h1 = _mm_first(x.astype(jnp.bfloat16), W1.astype(jnp.bfloat16), dinv)
    agg1 = _agg4(h1.reshape(4 * _NP, 128), srcq, dst_agg)
    h2 = _mm_mid(agg1, a1, c1, W2.astype(jnp.bfloat16), dinv, 4)
    agg2 = _agg4(h2.reshape(4 * _NP, 128), srcq, dst_agg)
    h3 = _mm_mid(agg2, a2, c2, W3.astype(jnp.bfloat16), dinv, 2)
    agg3 = _agg2(h3.reshape(2 * _NP, 128), srcq[:2], dst_agg)
    return _final(agg3, dinv, b3.reshape(2, 128))

# --- scband reference (transcript-rebuilt; emitter-appended) ---
"""Pipeline reference for scband-gcn-26422638805047 (READ-ONLY COPY).

The authoritative reference and input builder live on the scoring server;
editing this copy changes nothing except your own understanding.
"""

import jax, jax.numpy as jnp
import numpy as np

N = 10000
E = 160000
D_IN = 256
D_H = 512
D_OUT = 256


def setup_inputs(seed: int = 0) -> dict:
    key = jax.random.key(seed)
    ks = jax.random.split(key, 16)
    x = jax.random.normal(ks[0], (N, D_IN), dtype=jnp.float32)
    adj_t = jax.random.randint(ks[1], (2, E), 0, N, dtype=jnp.int32)
    def glorot(k, fan_in, fan_out):
        lim = np.sqrt(6.0 / (fan_in + fan_out))
        return jax.random.uniform(k, (fan_in, fan_out), dtype=jnp.float32, minval=-lim, maxval=lim)
    W1 = glorot(ks[2], D_IN, D_H)
    b1 = jnp.zeros((D_H,), dtype=jnp.float32)
    W2 = glorot(ks[3], D_H, D_H)
    b2 = jnp.zeros((D_H,), dtype=jnp.float32)
    W3 = glorot(ks[4], D_H, D_OUT)
    b3 = jnp.zeros((D_OUT,), dtype=jnp.float32)
    g1 = jnp.ones((D_H,), dtype=jnp.float32)
    be1 = jnp.zeros((D_H,), dtype=jnp.float32)
    g2 = jnp.ones((D_H,), dtype=jnp.float32)
    be2 = jnp.zeros((D_H,), dtype=jnp.float32)
    return {"x": x, "adj_t": adj_t, "W1": W1, "b1": b1, "W2": W2, "b2": b2,
            "W3": W3, "b3": b3, "g1": g1, "be1": be1, "g2": g2, "be2": be2}


def _edge_norm(adj_t):
    # add self loops, symmetric GCN normalization (PyG GCNConv semantics)
    loop = jnp.arange(N, dtype=adj_t.dtype)
    src = jnp.concatenate([adj_t[0], loop])
    dst = jnp.concatenate([adj_t[1], loop])
    ones = jnp.ones(src.shape[0], dtype=jnp.float32)
    deg = jnp.zeros((N,), dtype=jnp.float32).at[dst].add(ones)
    dinv = jnp.where(deg > 0, deg ** -0.5, 0.0)
    norm = dinv[src] * dinv[dst]
    return src, dst, norm


def _gcn_conv(x, src, dst, norm, W, b):
    h = x @ W
    msg = h[src] * norm[:, None]
    out = jax.ops.segment_sum(msg, dst, num_segments=N)
    return out + b


def _bn_eval(x, g, b):
    # eval-mode BatchNorm1d: running_mean=0, running_var=1
    return x / jnp.sqrt(1.0 + 1e-5) * g + b


def reference(x, adj_t, W1, b1, W2, b2, W3, b3, g1, be1, g2, be2):
    src, dst, norm = _edge_norm(adj_t)
    h = _gcn_conv(x, src, dst, norm, W1, b1)
    h = _bn_eval(h, g1, be1)
    h = jax.nn.relu(h)
    # dropout is identity in eval mode
    h = _gcn_conv(h, src, dst, norm, W2, b2)
    h = _bn_eval(h, g2, be2)
    h = jax.nn.relu(h)
    h = _gcn_conv(h, src, dst, norm, W3, b3)
    return jax.nn.log_softmax(h, axis=1)

if __name__ == "__main__":
    import jax
    _d = setup_inputs()
    print(jax.jit(kernel)(*tuple(_d.values())))

</pallas_src>

<mosaic_0001>
#map = affine_map<(d0, d1) -> (0, 0)>
#map1 = affine_map<(d0, d1) -> (0, 0, 0, 0)>
#map2 = affine_map<(d0, d1) -> (0, 0, 0)>
module attributes {stable_mosaic.version = 14 : i64} {
  func.func @agg(%arg0: i32, %arg1: i32, %arg2: memref<20480x128xf32, #tpu.memory_space<hbm>>, %arg3: memref<2x16x79x128xi32, #tpu.memory_space<hbm>>, %arg4: memref<16x79x128xi32, #tpu.memory_space<hbm>>, %arg5: memref<2x10240x128xf32, #tpu.memory_space<hbm>>, %arg6: memref<79x128xi32, #tpu.memory_space<vmem>>, %arg7: memref<79x128xi32, #tpu.memory_space<vmem>>, %arg8: memref<128x128xf32, #tpu.memory_space<vmem>>, %arg9: memref<10240x128xf32, #tpu.memory_space<vmem_shared>>) attributes {dimension_semantics = [#tpu.dimension_semantics<core_parallel>, #tpu.dimension_semantics<subcore_parallel>], iteration_bounds = array<i64: 2, 16>, scalar_prefetch = 0 : i64, scratch_operands = 4 : i64, tpu.core_type = #tpu.core_type<sc_vector_subcore>, window_params = [{transform_indices = #map}, {transform_indices = #map1}, {transform_indices = #map2}, {transform_indices = #map2}]} {
    "tpu.region"() ({
      %run_scoped3A = tpu.sem_alloc : memref<!tpu.dma_semaphore, #tpu.memory_space<semaphore_mem>>
      %dma_start3A = arith.constant 0 : i32
      %dma_start3A_21 = arith.constant 0 : i32
      %dma_start3A_22 = tpu.memref_slice %arg4[%arg1, %dma_start3A, %dma_start3A_21] : memref<16x79x128xi32, #tpu.memory_space<hbm>> -> memref<1x79x128xi32, #tpu.memory_space<hbm>>
      %dma_start3A_23 = tpu.memref_squeeze %dma_start3A_22 : memref<1x79x128xi32, #tpu.memory_space<hbm>> -> memref<79x128xi32, #tpu.memory_space<hbm>>
      %dma_start3A_24 = arith.constant 0 : i32
      %dma_start3A_25 = arith.constant 0 : i32
      %dma_start3A_26 = tpu.memref_slice %arg4[%arg1, %dma_start3A_24, %dma_start3A_25] : memref<16x79x128xi32, #tpu.memory_space<hbm>> -> memref<1x79x128xi32, #tpu.memory_space<hbm>>
      %dma_start3A_27 = tpu.memref_squeeze %dma_start3A_26 : memref<1x79x128xi32, #tpu.memory_space<hbm>> -> memref<79x128xi32, #tpu.memory_space<hbm>>
      tpu.enqueue_dma source(%dma_start3A_27 : memref<79x128xi32, #tpu.memory_space<hbm>>) target(%arg7 : memref<79x128xi32, #tpu.memory_space<vmem>>) target_semaphore(%run_scoped3A : memref<!tpu.dma_semaphore, #tpu.memory_space<semaphore_mem>>)
      %dma_wait3A = arith.constant 0 : i32
      %dma_wait3A_28 = arith.constant 0 : i32
      %dma_wait3A_29 = tpu.memref_slice %arg4[%arg1, %dma_wait3A, %dma_wait3A_28] : memref<16x79x128xi32, #tpu.memory_space<hbm>> -> memref<1x79x128xi32, #tpu.memory_space<hbm>>
      %dma_wait3A_30 = tpu.memref_squeeze %dma_wait3A_29 : memref<1x79x128xi32, #tpu.memory_space<hbm>> -> memref<79x128xi32, #tpu.memory_space<hbm>>
      %dma_wait3A_31 = arith.constant 0 : i32
      %dma_wait3A_32 = arith.constant 0 : i32
      %dma_wait3A_33 = tpu.memref_slice %arg4[%arg1, %dma_wait3A_31, %dma_wait3A_32] : memref<16x79x128xi32, #tpu.memory_space<hbm>> -> memref<1x79x128xi32, #tpu.memory_space<hbm>>
      %dma_wait3A_34 = tpu.memref_squeeze %dma_wait3A_33 : memref<1x79x128xi32, #tpu.memory_space<hbm>> -> memref<79x128xi32, #tpu.memory_space<hbm>>
      tpu.wait_dma2 semaphore(%run_scoped3A : memref<!tpu.dma_semaphore, #tpu.memory_space<semaphore_mem>>) src(%dma_wait3A_34 : memref<79x128xi32, #tpu.memory_space<hbm>>) dst(%arg7 : memref<79x128xi32, #tpu.memory_space<vmem>>)
      tpu.yield
    }) : () -> ()
    %mul3A = arith.constant 1 : i32
    %mul3A_0 = arith.muli %arg0, %mul3A : i32
    %add3A = arith.constant 0 : i32
    %add3A_1 = arith.addi %mul3A_0, %add3A : i32
    %mul3A_2 = arith.constant 10240 : i32
    %mul3A_3 = arith.muli %add3A_1, %mul3A_2 : i32
    %mul3A_4 = arith.constant 640 : i32
    %mul3A_5 = arith.muli %arg1, %mul3A_4 : i32
    %add3A_6 = arith.addi %mul3A_3, %mul3A_5 : i32
    %mul3A_7 = arith.constant 640 : i32
    %mul3A_8 = arith.muli %arg1, %mul3A_7 : i32
    "tpu.region"() ({
      %run_scoped3A = tpu.sem_alloc : memref<!tpu.dma_semaphore, #tpu.memory_space<semaphore_mem>>
      %dma_start3A = arith.constant 0 : i32
      %dma_start3A_21 = tpu.memref_slice %arg9[%mul3A_8, %dma_start3A] : memref<10240x128xf32, #tpu.memory_space<vmem_shared>> -> memref<640x128xf32, #tpu.memory_space<vmem_shared>>
      %dma_start3A_22 = arith.constant 0 : i32
      %dma_start3A_23 = tpu.memref_slice %arg2[%add3A_6, %dma_start3A_22] : memref<20480x128xf32, #tpu.memory_space<hbm>> -> memref<640x128xf32, #tpu.memory_space<hbm>>
      tpu.enqueue_dma source(%dma_start3A_23 : memref<640x128xf32, #tpu.memory_space<hbm>>) target(%dma_start3A_21 : memref<640x128xf32, #tpu.memory_space<vmem_shared>>) target_semaphore(%run_scoped3A : memref<!tpu.dma_semaphore, #tpu.memory_space<semaphore_mem>>)
      %dma_wait3A = arith.constant 0 : i32
      %dma_wait3A_24 = tpu.memref_slice %arg9[%mul3A_8, %dma_wait3A] : memref<10240x128xf32, #tpu.memory_space<vmem_shared>> -> memref<640x128xf32, #tpu.memory_space<vmem_shared>>
      %dma_wait3A_25 = arith.constant 0 : i32
      %dma_wait3A_26 = tpu.memref_slice %arg2[%add3A_6, %dma_wait3A_25] : memref<20480x128xf32, #tpu.memory_space<hbm>> -> memref<640x128xf32, #tpu.memory_space<hbm>>
      tpu.wait_dma2 semaphore(%run_scoped3A : memref<!tpu.dma_semaphore, #tpu.memory_space<semaphore_mem>>) src(%dma_wait3A_26 : memref<640x128xf32, #tpu.memory_space<hbm>>) dst(%dma_wait3A_24 : memref<640x128xf32, #tpu.memory_space<vmem_shared>>)
      tpu.yield
    }) : () -> ()
    "tpu.region"() ({
      %run_scoped3A = tpu.sem_alloc : memref<!tpu.dma_semaphore, #tpu.memory_space<semaphore_mem>>
      %dma_start3A = arith.constant 0 : i32
      %dma_start3A_21 = arith.constant 0 : i32
      %dma_start3A_22 = tpu.memref_slice %arg3[%add3A_1, %arg1, %dma_start3A, %dma_start3A_21] : memref<2x16x79x128xi32, #tpu.memory_space<hbm>> -> memref<1x1x79x128xi32, #tpu.memory_space<hbm>>
      %dma_start3A_23 = tpu.memref_squeeze %dma_start3A_22 : memref<1x1x79x128xi32, #tpu.memory_space<hbm>> -> memref<79x128xi32, #tpu.memory_space<hbm>>
      %dma_start3A_24 = arith.constant 0 : i32
      %dma_start3A_25 = arith.constant 0 : i32
      %dma_start3A_26 = tpu.memref_slice %arg3[%add3A_1, %arg1, %dma_start3A_24, %dma_start3A_25] : memref<2x16x79x128xi32, #tpu.memory_space<hbm>> -> memref<1x1x79x128xi32, #tpu.memory_space<hbm>>
      %dma_start3A_27 = tpu.memref_squeeze %dma_start3A_26 : memref<1x1x79x128xi32, #tpu.memory_space<hbm>> -> memref<79x128xi32, #tpu.memory_space<hbm>>
      tpu.enqueue_dma source(%dma_start3A_27 : memref<79x128xi32, #tpu.memory_space<hbm>>) target(%arg6 : memref<79x128xi32, #tpu.memory_space<vmem>>) target_semaphore(%run_scoped3A : memref<!tpu.dma_semaphore, #tpu.memory_space<semaphore_mem>>)
      %dma_wait3A = arith.constant 0 : i32
      %dma_wait3A_28 = arith.constant 0 : i32
      %dma_wait3A_29 = tpu.memref_slice %arg3[%add3A_1, %arg1, %dma_wait3A, %dma_wait3A_28] : memref<2x16x79x128xi32, #tpu.memory_space<hbm>> -> memref<1x1x79x128xi32, #tpu.memory_space<hbm>>
      %dma_wait3A_30 = tpu.memref_squeeze %dma_wait3A_29 : memref<1x1x79x128xi32, #tpu.memory_space<hbm>> -> memref<79x128xi32, #tpu.memory_space<hbm>>
      %dma_wait3A_31 = arith.constant 0 : i32
      %dma_wait3A_32 = arith.constant 0 : i32
      %dma_wait3A_33 = tpu.memref_slice %arg3[%add3A_1, %arg1, %dma_wait3A_31, %dma_wait3A_32] : memref<2x16x79x128xi32, #tpu.memory_space<hbm>> -> memref<1x1x79x128xi32, #tpu.memory_space<hbm>>
      %dma_wait3A_34 = tpu.memref_squeeze %dma_wait3A_33 : memref<1x1x79x128xi32, #tpu.memory_space<hbm>> -> memref<79x128xi32, #tpu.memory_space<hbm>>
      tpu.wait_dma2 semaphore(%run_scoped3A : memref<!tpu.dma_semaphore, #tpu.memory_space<semaphore_mem>>) src(%dma_wait3A_34 : memref<79x128xi32, #tpu.memory_space<hbm>>) dst(%arg6 : memref<79x128xi32, #tpu.memory_space<vmem>>)
      tpu.yield
    }) : () -> ()
    %barrier3A = arith.constant 0 : index
    tpu.barrier barrier_id(%barrier3A)
    %delay3A = arith.constant 500 : i32
    tpu.delay %delay3A
    %barrier3A_9 = arith.constant 0 : index
    tpu.barrier barrier_id(%barrier3A_9)
    %scan3A = arith.constant 0 : i32
    %scan3A_10 = arith.constant 79 : i32
    %scan3A_11 = arith.addi %scan3A, %scan3A_10 : i32
    %scan3A_12 = arith.constant 1 : i32
    scf.for %scan3A_21 = %scan3A to %scan3A_11 step %scan3A_12  : i32 {
      %mul3A_22 = arith.constant 1 : i32
      %mul3A_23 = arith.muli %scan3A_21, %mul3A_22 : i32
      %add3A_24 = arith.constant 0 : i32
      %add3A_25 = arith.addi %add3A_24, %mul3A_23 : i32
      "tpu.region"() ({
        %run_scoped3A = tpu.sem_alloc : memref<!tpu.dma_semaphore, #tpu.memory_space<semaphore_mem>>
        %dma_start3A = arith.constant 0 : i32
        %dma_start3A_26 = tpu.memref_slice %arg6[%add3A_25, %dma_start3A] : memref<79x128xi32, #tpu.memory_space<vmem>> -> memref<1x128xi32, #tpu.memory_space<vmem>>
        %dma_start3A_27 = tpu.memref_squeeze %dma_start3A_26 : memref<1x128xi32, #tpu.memory_space<vmem>> -> memref<128xi32, #tpu.memory_space<vmem>>
        %dma_start3A_28 = arith.constant 0 : i32
        %dma_start3A_29 = arith.constant 0 : i32
        %dma_start3A_30 = tpu.memref_slice %arg2[%dma_start3A_28, %dma_start3A_29] : memref<20480x128xf32, #tpu.memory_space<hbm>> -> memref<20480x128xf32, #tpu.memory_space<hbm>>
        tpu.enqueue_indirect_dma source(%dma_start3A_30 : memref<20480x128xf32, #tpu.memory_space<hbm>>) target(%arg8 : memref<128x128xf32, #tpu.memory_space<vmem>>) offsets(%dma_start3A_27 : memref<128xi32, #tpu.memory_space<vmem>>) semaphore(%run_scoped3A : memref<!tpu.dma_semaphore, #tpu.memory_space<semaphore_mem>>)
        %dma_wait3A = arith.constant 0 : i32
        %dma_wait3A_31 = tpu.memref_slice %arg6[%add3A_25, %dma_wait3A] : memref<79x128xi32, #tpu.memory_space<vmem>> -> memref<1x128xi32, #tpu.memory_space<vmem>>
        %dma_wait3A_32 = tpu.memref_squeeze %dma_wait3A_31 : memref<1x128xi32, #tpu.memory_space<vmem>> -> memref<128xi32, #tpu.memory_space<vmem>>
        %dma_wait3A_33 = arith.constant 0 : i32
        %dma_wait3A_34 = arith.constant 0 : i32
        %dma_wait3A_35 = tpu.memref_slice %arg2[%dma_wait3A_33, %dma_wait3A_34] : memref<20480x128xf32, #tpu.memory_space<hbm>> -> memref<20480x128xf32, #tpu.memory_space<hbm>>
        tpu.wait_indirect_dma semaphore(%run_scoped3A : memref<!tpu.dma_semaphore, #tpu.memory_space<semaphore_mem>>) src(%dma_wait3A_35 : memref<20480x128xf32, #tpu.memory_space<hbm>>) dst(%arg8 : memref<128x128xf32, #tpu.memory_space<vmem>>)
        tpu.yield
      }) : () -> ()
      "tpu.region"() ({
        %run_scoped3A = tpu.sem_alloc : memref<!tpu.dma_semaphore, #tpu.memory_space<semaphore_mem>>
        %dma_start3A = arith.constant 0 : i32
        %dma_start3A_26 = tpu.memref_slice %arg7[%add3A_25, %dma_start3A] : memref<79x128xi32, #tpu.memory_space<vmem>> -> memref<1x128xi32, #tpu.memory_space<vmem>>
        %dma_start3A_27 = tpu.memref_squeeze %dma_start3A_26 : memref<1x128xi32, #tpu.memory_space<vmem>> -> memref<128xi32, #tpu.memory_space<vmem>>
        %dma_start3A_28 = arith.constant 0 : i32
        %dma_start3A_29 = arith.constant 0 : i32
        %dma_start3A_30 = tpu.memref_slice %arg9[%dma_start3A_28, %dma_start3A_29] : memref<10240x128xf32, #tpu.memory_space<vmem_shared>> -> memref<10240x128xf32, #tpu.memory_space<vmem_shared>>
        tpu.enqueue_indirect_dma source(%arg8 : memref<128x128xf32, #tpu.memory_space<vmem>>) target(%dma_start3A_30 : memref<10240x128xf32, #tpu.memory_space<vmem_shared>>) offsets(%dma_start3A_27 : memref<128xi32, #tpu.memory_space<vmem>>) semaphore(%run_scoped3A : memref<!tpu.dma_semaphore, #tpu.memory_space<semaphore_mem>>) {add = true}
        %dma_wait3A = arith.constant 0 : i32
        %dma_wait3A_31 = tpu.memref_slice %arg7[%add3A_25, %dma_wait3A] : memref<79x128xi32, #tpu.memory_space<vmem>> -> memref<1x128xi32, #tpu.memory_space<vmem>>
        %dma_wait3A_32 = tpu.memref_squeeze %dma_wait3A_31 : memref<1x128xi32, #tpu.memory_space<vmem>> -> memref<128xi32, #tpu.memory_space<vmem>>
        %dma_wait3A_33 = arith.constant 0 : i32
        %dma_wait3A_34 = arith.constant 0 : i32
        %dma_wait3A_35 = tpu.memref_slice %arg9[%dma_wait3A_33, %dma_wait3A_34] : memref<10240x128xf32, #tpu.memory_space<vmem_shared>> -> memref<10240x128xf32, #tpu.memory_space<vmem_shared>>
        tpu.wait_indirect_dma semaphore(%run_scoped3A : memref<!tpu.dma_semaphore, #tpu.memory_space<semaphore_mem>>) src(%arg8 : memref<128x128xf32, #tpu.memory_space<vmem>>) dst(%dma_wait3A_35 : memref<10240x128xf32, #tpu.memory_space<vmem_shared>>)
        tpu.yield
      }) : () -> ()
    }
    %scan3A_13 = arith.constant 79 : i32
    %barrier3A_14 = arith.constant 0 : index
    tpu.barrier barrier_id(%barrier3A_14)
    %delay3A_15 = arith.constant 500 : i32
    tpu.delay %delay3A_15
    %barrier3A_16 = arith.constant 0 : index
    tpu.barrier barrier_id(%barrier3A_16)
    %mul3A_17 = arith.constant 640 : i32
    %mul3A_18 = arith.muli %arg1, %mul3A_17 : i32
    %mul3A_19 = arith.constant 640 : i32
    %mul3A_20 = arith.muli %arg1, %mul3A_19 : i32
    "tpu.region"() ({
      %run_scoped3A = tpu.sem_alloc : memref<!tpu.dma_semaphore, #tpu.memory_space<semaphore_mem>>
      %dma_start3A = arith.constant 0 : i32
      %dma_start3A_21 = tpu.memref_slice %arg5[%add3A_1, %mul3A_20, %dma_start3A] : memref<2x10240x128xf32, #tpu.memory_space<hbm>> -> memref<1x640x128xf32, #tpu.memory_space<hbm>>
      %dma_start3A_22 = tpu.memref_squeeze %dma_start3A_21 : memref<1x640x128xf32, #tpu.memory_space<hbm>> -> memref<640x128xf32, #tpu.memory_space<hbm>>
      %dma_start3A_23 = arith.constant 0 : i32
      %dma_start3A_24 = tpu.memref_slice %arg9[%mul3A_18, %dma_start3A_23] : memref<10240x128xf32, #tpu.memory_space<vmem_shared>> -> memref<640x128xf32, #tpu.memory_space<vmem_shared>>
      tpu.enqueue_dma source(%dma_start3A_24 : memref<640x128xf32, #tpu.memory_space<vmem_shared>>) target(%dma_start3A_22 : memref<640x128xf32, #tpu.memory_space<hbm>>) target_semaphore(%run_scoped3A : memref<!tpu.dma_semaphore, #tpu.memory_space<semaphore_mem>>)
      %dma_wait3A = arith.constant 0 : i32
      %dma_wait3A_25 = tpu.memref_slice %arg5[%add3A_1, %mul3A_20, %dma_wait3A] : memref<2x10240x128xf32, #tpu.memory_space<hbm>> -> memref<1x640x128xf32, #tpu.memory_space<hbm>>
      %dma_wait3A_26 = tpu.memref_squeeze %dma_wait3A_25 : memref<1x640x128xf32, #tpu.memory_space<hbm>> -> memref<640x128xf32, #tpu.memory_space<hbm>>
      %dma_wait3A_27 = arith.constant 0 : i32
      %dma_wait3A_28 = tpu.memref_slice %arg9[%mul3A_18, %dma_wait3A_27] : memref<10240x128xf32, #tpu.memory_space<vmem_shared>> -> memref<640x128xf32, #tpu.memory_space<vmem_shared>>
      tpu.wait_dma2 semaphore(%run_scoped3A : memref<!tpu.dma_semaphore, #tpu.memory_space<semaphore_mem>>) src(%dma_wait3A_28 : memref<640x128xf32, #tpu.memory_space<vmem_shared>>) dst(%dma_wait3A_26 : memref<640x128xf32, #tpu.memory_space<hbm>>)
      tpu.yield
    }) : () -> ()
    return
  }
}

#map = affine_map<(d0, d1) -> (0, 0, 0)>
#map1 = affine_map<(d0, d1) -> (0, 0)>
module attributes {stable_mosaic.version = 14 : i64} {
  func.func @_deg_kernel(%arg0: i32, %arg1: i32, %arg2: memref<32x40x128xi32, #tpu.memory_space<hbm>>, %arg3: memref<2x10240xf32, #tpu.memory_space<hbm>>, %arg4: memref<40x128xi32, #tpu.memory_space<vmem>>, %arg5: memref<128xf32, #tpu.memory_space<vmem>>, %arg6: memref<640xf32, #tpu.memory_space<vmem>>, %arg7: memref<10240xf32, #tpu.memory_space<vmem_shared>>) attributes {dimension_semantics = [#tpu.dimension_semantics<core_parallel>, #tpu.dimension_semantics<subcore_parallel>], iteration_bounds = array<i64: 2, 16>, scalar_prefetch = 0 : i64, scratch_operands = 4 : i64, tpu.core_type = #tpu.core_type<sc_vector_subcore>, window_params = [{transform_indices = #map}, {transform_indices = #map1}]} {
    %scan3A = arith.constant 0 : i32
    %scan3A_0 = arith.constant 8 : i32
    %scan3A_1 = arith.addi %scan3A, %scan3A_0 : i32
    %scan3A_2 = arith.constant 1 : i32
    scf.for %scan3A_25 = %scan3A to %scan3A_1 step %scan3A_2  : i32 {
      %mul3A_26 = arith.constant 1 : i32
      %mul3A_27 = arith.muli %scan3A_25, %mul3A_26 : i32
      %add3A_28 = arith.constant 0 : i32
      %add3A_29 = arith.addi %add3A_28, %mul3A_27 : i32
      %broadcast_in_dim3A = arith.constant 1.000000e+00 : f32
      %broadcast_in_dim3A_30 = vector.broadcast %broadcast_in_dim3A : f32 to vector<16xf32>
      %mul3A_31 = arith.constant 16 : i32
      %mul3A_32 = arith.muli %add3A_29, %mul3A_31 : i32
      %swap3A = arith.index_cast %mul3A_32 : i32 to index
      %swap3A_33 = tpu.vector_load %arg5[%swap3A] {strides = array<i32>} : memref<128xf32, #tpu.memory_space<vmem>>, vector<16xf32>,
      %swap3A_34 = vector.shape_cast %swap3A_33 : vector<16xf32> to vector<16xf32>
      %swap3A_35 = vector.shape_cast %broadcast_in_dim3A_30 : vector<16xf32> to vector<16xf32>
      tpu.vector_store %arg5[%swap3A], %swap3A_35 {strides = array<i32>} : memref<128xf32, #tpu.memory_space<vmem>>, vector<16xf32>,
    }
    %scan3A_3 = arith.constant 8 : i32
    %scan3A_4 = arith.constant 0 : i32
    %scan3A_5 = arith.constant 40 : i32
    %scan3A_6 = arith.addi %scan3A_4, %scan3A_5 : i32
    %scan3A_7 = arith.constant 1 : i32
    scf.for %scan3A_25 = %scan3A_4 to %scan3A_6 step %scan3A_7  : i32 {
      %mul3A_26 = arith.constant 1 : i32
      %mul3A_27 = arith.muli %scan3A_25, %mul3A_26 : i32
      %add3A_28 = arith.constant 0 : i32
      %add3A_29 = arith.addi %add3A_28, %mul3A_27 : i32
      %broadcast_in_dim3A = arith.constant 0.000000e+00 : f32
      %broadcast_in_dim3A_30 = vector.broadcast %broadcast_in_dim3A : f32 to vector<16xf32>
      %mul3A_31 = arith.constant 16 : i32
      %mul3A_32 = arith.muli %add3A_29, %mul3A_31 : i32
      %swap3A = arith.index_cast %mul3A_32 : i32 to index
      %swap3A_33 = tpu.vector_load %arg6[%swap3A] {strides = array<i32>} : memref<640xf32, #tpu.memory_space<vmem>>, vector<16xf32>,
      %swap3A_34 = vector.shape_cast %swap3A_33 : vector<16xf32> to vector<16xf32>
      %swap3A_35 = vector.shape_cast %broadcast_in_dim3A_30 : vector<16xf32> to vector<16xf32>
      tpu.vector_store %arg6[%swap3A], %swap3A_35 {strides = array<i32>} : memref<640xf32, #tpu.memory_space<vmem>>, vector<16xf32>,
    }
    %scan3A_8 = arith.constant 40 : i32
    %mul3A = arith.constant 640 : i32
    %mul3A_9 = arith.muli %arg1, %mul3A : i32
    "tpu.region"() ({
      %run_scoped3A = tpu.sem_alloc : memref<!tpu.dma_semaphore, #tpu.memory_space<semaphore_mem>>
      %dma_start3A = tpu.memref_slice %arg7[%mul3A_9] : memref<10240xf32, #tpu.memory_space<vmem_shared>> -> memref<640xf32, #tpu.memory_space<vmem_shared>>
      %dma_start3A_25 = tpu.memref_slice %arg7[%mul3A_9] : memref<10240xf32, #tpu.memory_space<vmem_shared>> -> memref<640xf32, #tpu.memory_space<vmem_shared>>
      tpu.enqueue_dma source(%arg6 : memref<640xf32, #tpu.memory_space<vmem>>) target(%dma_start3A_25 : memref<640xf32, #tpu.memory_space<vmem_shared>>) target_semaphore(%run_scoped3A : memref<!tpu.dma_semaphore, #tpu.memory_space<semaphore_mem>>)
      %dma_wait3A = tpu.memref_slice %arg7[%mul3A_9] : memref<10240xf32, #tpu.memory_space<vmem_shared>> -> memref<640xf32, #tpu.memory_space<vmem_shared>>
      %dma_wait3A_26 = tpu.memref_slice %arg7[%mul3A_9] : memref<10240xf32, #tpu.memory_space<vmem_shared>> -> memref<640xf32, #tpu.memory_space<vmem_shared>>
      tpu.wait_dma2 semaphore(%run_scoped3A : memref<!tpu.dma_semaphore, #tpu.memory_space<semaphore_mem>>) src(%arg6 : memref<640xf32, #tpu.memory_space<vmem>>) dst(%dma_wait3A_26 : memref<640xf32, #tpu.memory_space<vmem_shared>>)
      tpu.yield
    }) : () -> ()
    %mul3A_10 = arith.constant 16 : i32
    %mul3A_11 = arith.muli %arg0, %mul3A_10 : i32
    %add3A = arith.addi %mul3A_11, %arg1 : i32
    "tpu.region"() ({
      %run_scoped3A = tpu.sem_alloc : memref<!tpu.dma_semaphore, #tpu.memory_space<semaphore_mem>>
      %dma_start3A = arith.constant 0 : i32
      %dma_start3A_25 = arith.constant 0 : i32
      %dma_start3A_26 = tpu.memref_slice %arg2[%add3A, %dma_start3A, %dma_start3A_25] : memref<32x40x128xi32, #tpu.memory_space<hbm>> -> memref<1x40x128xi32, #tpu.memory_space<hbm>>
      %dma_start3A_27 = tpu.memref_squeeze %dma_start3A_26 : memref<1x40x128xi32, #tpu.memory_space<hbm>> -> memref<40x128xi32, #tpu.memory_space<hbm>>
      %dma_start3A_28 = arith.constant 0 : i32
      %dma_start3A_29 = arith.constant 0 : i32
      %dma_start3A_30 = tpu.memref_slice %arg2[%add3A, %dma_start3A_28, %dma_start3A_29] : memref<32x40x128xi32, #tpu.memory_space<hbm>> -> memref<1x40x128xi32, #tpu.memory_space<hbm>>
      %dma_start3A_31 = tpu.memref_squeeze %dma_start3A_30 : memref<1x40x128xi32, #tpu.memory_space<hbm>> -> memref<40x128xi32, #tpu.memory_space<hbm>>
      tpu.enqueue_dma source(%dma_start3A_31 : memref<40x128xi32, #tpu.memory_space<hbm>>) target(%arg4 : memref<40x128xi32, #tpu.memory_space<vmem>>) target_semaphore(%run_scoped3A : memref<!tpu.dma_semaphore, #tpu.memory_space<semaphore_mem>>)
      %dma_wait3A = arith.constant 0 : i32
      %dma_wait3A_32 = arith.constant 0 : i32
      %dma_wait3A_33 = tpu.memref_slice %arg2[%add3A, %dma_wait3A, %dma_wait3A_32] : memref<32x40x128xi32, #tpu.memory_space<hbm>> -> memref<1x40x128xi32, #tpu.memory_space<hbm>>
      %dma_wait3A_34 = tpu.memref_squeeze %dma_wait3A_33 : memref<1x40x128xi32, #tpu.memory_space<hbm>> -> memref<40x128xi32, #tpu.memory_space<hbm>>
      %dma_wait3A_35 = arith.constant 0 : i32
      %dma_wait3A_36 = arith.constant 0 : i32
      %dma_wait3A_37 = tpu.memref_slice %arg2[%add3A, %dma_wait3A_35, %dma_wait3A_36] : memref<32x40x128xi32, #tpu.memory_space<hbm>> -> memref<1x40x128xi32, #tpu.memory_space<hbm>>
      %dma_wait3A_38 = tpu.memref_squeeze %dma_wait3A_37 : memref<1x40x128xi32, #tpu.memory_space<hbm>> -> memref<40x128xi32, #tpu.memory_space<hbm>>
      tpu.wait_dma2 semaphore(%run_scoped3A : memref<!tpu.dma_semaphore, #tpu.memory_space<semaphore_mem>>) src(%dma_wait3A_38 : memref<40x128xi32, #tpu.memory_space<hbm>>) dst(%arg4 : memref<40x128xi32, #tpu.memory_space<vmem>>)
      tpu.yield
    }) : () -> ()
    %barrier3A = arith.constant 0 : index
    tpu.barrier barrier_id(%barrier3A)
    %delay3A = arith.constant 500 : i32
    tpu.delay %delay3A
    %barrier3A_12 = arith.constant 0 : index
    tpu.barrier barrier_id(%barrier3A_12)
    %scan3A_13 = arith.constant 0 : i32
    %scan3A_14 = arith.constant 40 : i32
    %scan3A_15 = arith.addi %scan3A_13, %scan3A_14 : i32
    %scan3A_16 = arith.constant 1 : i32
    scf.for %scan3A_25 = %scan3A_13 to %scan3A_15 step %scan3A_16  : i32 {
      %mul3A_26 = arith.constant 1 : i32
      %mul3A_27 = arith.muli %scan3A_25, %mul3A_26 : i32
      %add3A_28 = arith.constant 0 : i32
      %add3A_29 = arith.addi %add3A_28, %mul3A_27 : i32
      "tpu.region"() ({
        %run_scoped3A = tpu.sem_alloc : memref<!tpu.dma_semaphore, #tpu.memory_space<semaphore_mem>>
        %dma_start3A = arith.constant 0 : i32
        %dma_start3A_30 = tpu.memref_slice %arg4[%add3A_29, %dma_start3A] : memref<40x128xi32, #tpu.memory_space<vmem>> -> memref<1x128xi32, #tpu.memory_space<vmem>>
        %dma_start3A_31 = tpu.memref_squeeze %dma_start3A_30 : memref<1x128xi32, #tpu.memory_space<vmem>> -> memref<128xi32, #tpu.memory_space<vmem>>
        %dma_start3A_32 = arith.constant 0 : i32
        %dma_start3A_33 = tpu.memref_slice %arg7[%dma_start3A_32] : memref<10240xf32, #tpu.memory_space<vmem_shared>> -> memref<10240xf32, #tpu.memory_space<vmem_shared>>
        tpu.enqueue_indirect_dma source(%arg5 : memref<128xf32, #tpu.memory_space<vmem>>) target(%dma_start3A_33 : memref<10240xf32, #tpu.memory_space<vmem_shared>>) offsets(%dma_start3A_31 : memref<128xi32, #tpu.memory_space<vmem>>) semaphore(%run_scoped3A : memref<!tpu.dma_semaphore, #tpu.memory_space<semaphore_mem>>) {add = true}
        %dma_wait3A = arith.constant 0 : i32
        %dma_wait3A_34 = tpu.memref_slice %arg4[%add3A_29, %dma_wait3A] : memref<40x128xi32, #tpu.memory_space<vmem>> -> memref<1x128xi32, #tpu.memory_space<vmem>>
        %dma_wait3A_35 = tpu.memref_squeeze %dma_wait3A_34 : memref<1x128xi32, #tpu.memory_space<vmem>> -> memref<128xi32, #tpu.memory_space<vmem>>
        %dma_wait3A_36 = arith.constant 0 : i32
        %dma_wait3A_37 = tpu.memref_slice %arg7[%dma_wait3A_36] : memref<10240xf32, #tpu.memory_space<vmem_shared>> -> memref<10240xf32, #tpu.memory_space<vmem_shared>>
        tpu.wait_indirect_dma semaphore(%run_scoped3A : memref<!tpu.dma_semaphore, #tpu.memory_space<semaphore_mem>>) src(%arg5 : memref<128xf32, #tpu.memory_space<vmem>>) dst(%dma_wait3A_37 : memref<10240xf32, #tpu.memory_space<vmem_shared>>)
        tpu.yield
      }) : () -> ()
    }
    %scan3A_17 = arith.constant 40 : i32
    %barrier3A_18 = arith.constant 0 : index
    tpu.barrier barrier_id(%barrier3A_18)
    %delay3A_19 = arith.constant 500 : i32
    tpu.delay %delay3A_19
    %barrier3A_20 = arith.constant 0 : index
    tpu.barrier barrier_id(%barrier3A_20)
    %mul3A_21 = arith.constant 640 : i32
    %mul3A_22 = arith.muli %arg1, %mul3A_21 : i32
    "tpu.region"() ({
      %run_scoped3A = tpu.sem_alloc : memref<!tpu.dma_semaphore, #tpu.memory_space<semaphore_mem>>
      %dma_start3A = tpu.memref_slice %arg7[%mul3A_22] : memref<10240xf32, #tpu.memory_space<vmem_shared>> -> memref<640xf32, #tpu.memory_space<vmem_shared>>
      %dma_start3A_25 = tpu.memref_slice %arg7[%mul3A_22] : memref<10240xf32, #tpu.memory_space<vmem_shared>> -> memref<640xf32, #tpu.memory_space<vmem_shared>>
      tpu.enqueue_dma source(%dma_start3A_25 : memref<640xf32, #tpu.memory_space<vmem_shared>>) target(%arg6 : memref<640xf32, #tpu.memory_space<vmem>>) target_semaphore(%run_scoped3A : memref<!tpu.dma_semaphore, #tpu.memory_space<semaphore_mem>>)
      %dma_wait3A = tpu.memref_slice %arg7[%mul3A_22] : memref<10240xf32, #tpu.memory_space<vmem_shared>> -> memref<640xf32, #tpu.memory_space<vmem_shared>>
      %dma_wait3A_26 = tpu.memref_slice %arg7[%mul3A_22] : memref<10240xf32, #tpu.memory_space<vmem_shared>> -> memref<640xf32, #tpu.memory_space<vmem_shared>>
      tpu.wait_dma2 semaphore(%run_scoped3A : memref<!tpu.dma_semaphore, #tpu.memory_space<semaphore_mem>>) src(%dma_wait3A_26 : memref<640xf32, #tpu.memory_space<vmem_shared>>) dst(%arg6 : memref<640xf32, #tpu.memory_space<vmem>>)
      tpu.yield
    }) : () -> ()
    %mul3A_23 = arith.constant 640 : i32
    %mul3A_24 = arith.muli %arg1, %mul3A_23 : i32
    "tpu.region"() ({
      %run_scoped3A = tpu.sem_alloc : memref<!tpu.dma_semaphore, #tpu.memory_space<semaphore_mem>>
      %dma_start3A = tpu.memref_slice %arg3[%arg0, %mul3A_24] : memref<2x10240xf32, #tpu.memory_space<hbm>> -> memref<1x640xf32, #tpu.memory_space<hbm>>
      %dma_start3A_25 = tpu.memref_squeeze %dma_start3A : memref<1x640xf32, #tpu.memory_space<hbm>> -> memref<640xf32, #tpu.memory_space<hbm>>
      %dma_start3A_26 = tpu.memref_slice %arg3[%arg0, %mul3A_24] : memref<2x10240xf32, #tpu.memory_space<hbm>> -> memref<1x640xf32, #tpu.memory_space<hbm>>
      %dma_start3A_27 = tpu.memref_squeeze %dma_start3A_26 : memref<1x640xf32, #tpu.memory_space<hbm>> -> memref<640xf32, #tpu.memory_space<hbm>>
      tpu.enqueue_dma source(%arg6 : memref<640xf32, #tpu.memory_space<vmem>>) target(%dma_start3A_27 : memref<640xf32, #tpu.memory_space<hbm>>) target_semaphore(%run_scoped3A : memref<!tpu.dma_semaphore, #tpu.memory_space<semaphore_mem>>)
      %dma_wait3A = tpu.memref_slice %arg3[%arg0, %mul3A_24] : memref<2x10240xf32, #tpu.memory_space<hbm>> -> memref<1x640xf32, #tpu.memory_space<hbm>>
      %dma_wait3A_28 = tpu.memref_squeeze %dma_wait3A : memref<1x640xf32, #tpu.memory_space<hbm>> -> memref<640xf32, #tpu.memory_space<hbm>>
      %dma_wait3A_29 = tpu.memref_slice %arg3[%arg0, %mul3A_24] : memref<2x10240xf32, #tpu.memory_space<hbm>> -> memref<1x640xf32, #tpu.memory_space<hbm>>
      %dma_wait3A_30 = tpu.memref_squeeze %dma_wait3A_29 : memref<1x640xf32, #tpu.memory_space<hbm>> -> memref<640xf32, #tpu.memory_space<hbm>>
      tpu.wait_dma2 semaphore(%run_scoped3A : memref<!tpu.dma_semaphore, #tpu.memory_space<semaphore_mem>>) src(%arg6 : memref<640xf32, #tpu.memory_space<vmem>>) dst(%dma_wait3A_30 : memref<640xf32, #tpu.memory_space<hbm>>)
      tpu.yield
    }) : () -> ()
    return
  }
}

#map = affine_map<(d0, d1) -> (0, 0)>
#map1 = affine_map<(d0, d1) -> (0, 0, 0, 0)>
#map2 = affine_map<(d0, d1) -> (0, 0, 0)>
module attributes {stable_mosaic.version = 14 : i64} {
  func.func @agg(%arg0: i32, %arg1: i32, %arg2: memref<40960x128xf32, #tpu.memory_space<hbm>>, %arg3: memref<4x16x79x128xi32, #tpu.memory_space<hbm>>, %arg4: memref<16x79x128xi32, #tpu.memory_space<hbm>>, %arg5: memref<4x10240x128xf32, #tpu.memory_space<hbm>>, %arg6: memref<79x128xi32, #tpu.memory_space<vmem>>, %arg7: memref<79x128xi32, #tpu.memory_space<vmem>>, %arg8: memref<128x128xf32, #tpu.memory_space<vmem>>, %arg9: memref<10240x128xf32, #tpu.memory_space<vmem_shared>>) attributes {dimension_semantics = [#tpu.dimension_semantics<core_parallel>, #tpu.dimension_semantics<subcore_parallel>], iteration_bounds = array<i64: 2, 16>, scalar_prefetch = 0 : i64, scratch_operands = 4 : i64, tpu.core_type = #tpu.core_type<sc_vector_subcore>, window_params = [{transform_indices = #map}, {transform_indices = #map1}, {transform_indices = #map2}, {transform_indices = #map2}]} {
    "tpu.region"() ({
      %run_scoped3A = tpu.sem_alloc : memref<!tpu.dma_semaphore, #tpu.memory_space<semaphore_mem>>
      %dma_start3A = arith.constant 0 : i32
      %dma_start3A_48 = arith.constant 0 : i32
      %dma_start3A_49 = tpu.memref_slice %arg4[%arg1, %dma_start3A, %dma_start3A_48] : memref<16x79x128xi32, #tpu.memory_space<hbm>> -> memref<1x79x128xi32, #tpu.memory_space<hbm>>
      %dma_start3A_50 = tpu.memref_squeeze %dma_start3A_49 : memref<1x79x128xi32, #tpu.memory_space<hbm>> -> memref<79x128xi32, #tpu.memory_space<hbm>>
      %dma_start3A_51 = arith.constant 0 : i32
      %dma_start3A_52 = arith.constant 0 : i32
      %dma_start3A_53 = tpu.memref_slice %arg4[%arg1, %dma_start3A_51, %dma_start3A_52] : memref<16x79x128xi32, #tpu.memory_space<hbm>> -> memref<1x79x128xi32, #tpu.memory_space<hbm>>
      %dma_start3A_54 = tpu.memref_squeeze %dma_start3A_53 : memref<1x79x128xi32, #tpu.memory_space<hbm>> -> memref<79x128xi32, #tpu.memory_space<hbm>>
      tpu.enqueue_dma source(%dma_start3A_54 : memref<79x128xi32, #tpu.memory_space<hbm>>) target(%arg7 : memref<79x128xi32, #tpu.memory_space<vmem>>) target_semaphore(%run_scoped3A : memref<!tpu.dma_semaphore, #tpu.memory_space<semaphore_mem>>)
      %dma_wait3A = arith.constant 0 : i32
      %dma_wait3A_55 = arith.constant 0 : i32
      %dma_wait3A_56 = tpu.memref_slice %arg4[%arg1, %dma_wait3A, %dma_wait3A_55] : memref<16x79x128xi32, #tpu.memory_space<hbm>> -> memref<1x79x128xi32, #tpu.memory_space<hbm>>
      %dma_wait3A_57 = tpu.memref_squeeze %dma_wait3A_56 : memref<1x79x128xi32, #tpu.memory_space<hbm>> -> memref<79x128xi32, #tpu.memory_space<hbm>>
      %dma_wait3A_58 = arith.constant 0 : i32
      %dma_wait3A_59 = arith.constant 0 : i32
      %dma_wait3A_60 = tpu.memref_slice %arg4[%arg1, %dma_wait3A_58, %dma_wait3A_59] : memref<16x79x128xi32, #tpu.memory_space<hbm>> -> memref<1x79x128xi32, #tpu.memory_space<hbm>>
      %dma_wait3A_61 = tpu.memref_squeeze %dma_wait3A_60 : memref<1x79x128xi32, #tpu.memory_space<hbm>> -> memref<79x128xi32, #tpu.memory_space<hbm>>
      tpu.wait_dma2 semaphore(%run_scoped3A : memref<!tpu.dma_semaphore, #tpu.memory_space<semaphore_mem>>) src(%dma_wait3A_61 : memref<79x128xi32, #tpu.memory_space<hbm>>) dst(%arg7 : memref<79x128xi32, #tpu.memory_space<vmem>>)
      tpu.yield
    }) : () -> ()
    %mul3A = arith.constant 2 : i32
    %mul3A_0 = arith.muli %arg0, %mul3A : i32
    %add3A = arith.constant 0 : i32
    %add3A_1 = arith.addi %mul3A_0, %add3A : i32
    %mul3A_2 = arith.constant 10240 : i32
    %mul3A_3 = arith.muli %add3A_1, %mul3A_2 : i32
    %mul3A_4 = arith.constant 640 : i32
    %mul3A_5 = arith.muli %arg1, %mul3A_4 : i32
    %add3A_6 = arith.addi %mul3A_3, %mul3A_5 : i32
    %mul3A_7 = arith.constant 640 : i32
    %mul3A_8 = arith.muli %arg1, %mul3A_7 : i32
    "tpu.region"() ({
      %run_scoped3A = tpu.sem_alloc : memref<!tpu.dma_semaphore, #tpu.memory_space<semaphore_mem>>
      %dma_start3A = arith.constant 0 : i32
      %dma_start3A_48 = tpu.memref_slice %arg9[%mul3A_8, %dma_start3A] : memref<10240x128xf32, #tpu.memory_space<vmem_shared>> -> memref<640x128xf32, #tpu.memory_space<vmem_shared>>
      %dma_start3A_49 = arith.constant 0 : i32
      %dma_start3A_50 = tpu.memref_slice %arg2[%add3A_6, %dma_start3A_49] : memref<40960x128xf32, #tpu.memory_space<hbm>> -> memref<640x128xf32, #tpu.memory_space<hbm>>
      tpu.enqueue_dma source(%dma_start3A_50 : memref<640x128xf32, #tpu.memory_space<hbm>>) target(%dma_start3A_48 : memref<640x128xf32, #tpu.memory_space<vmem_shared>>) target_semaphore(%run_scoped3A : memref<!tpu.dma_semaphore, #tpu.memory_space<semaphore_mem>>)
      %dma_wait3A = arith.constant 0 : i32
      %dma_wait3A_51 = tpu.memref_slice %arg9[%mul3A_8, %dma_wait3A] : memref<10240x128xf32, #tpu.memory_space<vmem_shared>> -> memref<640x128xf32, #tpu.memory_space<vmem_shared>>
      %dma_wait3A_52 = arith.constant 0 : i32
      %dma_wait3A_53 = tpu.memref_slice %arg2[%add3A_6, %dma_wait3A_52] : memref<40960x128xf32, #tpu.memory_space<hbm>> -> memref<640x128xf32, #tpu.memory_space<hbm>>
      tpu.wait_dma2 semaphore(%run_scoped3A : memref<!tpu.dma_semaphore, #tpu.memory_space<semaphore_mem>>) src(%dma_wait3A_53 : memref<640x128xf32, #tpu.memory_space<hbm>>) dst(%dma_wait3A_51 : memref<640x128xf32, #tpu.memory_space<vmem_shared>>)
      tpu.yield
    }) : () -> ()
    "tpu.region"() ({
      %run_scoped3A = tpu.sem_alloc : memref<!tpu.dma_semaphore, #tpu.memory_space<semaphore_mem>>
      %dma_start3A = arith.constant 0 : i32
      %dma_start3A_48 = arith.constant 0 : i32
      %dma_start3A_49 = tpu.memref_slice %arg3[%add3A_1, %arg1, %dma_start3A, %dma_start3A_48] : memref<4x16x79x128xi32, #tpu.memory_space<hbm>> -> memref<1x1x79x128xi32, #tpu.memory_space<hbm>>
      %dma_start3A_50 = tpu.memref_squeeze %dma_start3A_49 : memref<1x1x79x128xi32, #tpu.memory_space<hbm>> -> memref<79x128xi32, #tpu.memory_space<hbm>>
      %dma_start3A_51 = arith.constant 0 : i32
      %dma_start3A_52 = arith.constant 0 : i32
      %dma_start3A_53 = tpu.memref_slice %arg3[%add3A_1, %arg1, %dma_start3A_51, %dma_start3A_52] : memref<4x16x79x128xi32, #tpu.memory_space<hbm>> -> memref<1x1x79x128xi32, #tpu.memory_space<hbm>>
      %dma_start3A_54 = tpu.memref_squeeze %dma_start3A_53 : memref<1x1x79x128xi32, #tpu.memory_space<hbm>> -> memref<79x128xi32, #tpu.memory_space<hbm>>
      tpu.enqueue_dma source(%dma_start3A_54 : memref<79x128xi32, #tpu.memory_space<hbm>>) target(%arg6 : memref<79x128xi32, #tpu.memory_space<vmem>>) target_semaphore(%run_scoped3A : memref<!tpu.dma_semaphore, #tpu.memory_space<semaphore_mem>>)
      %dma_wait3A = arith.constant 0 : i32
      %dma_wait3A_55 = arith.constant 0 : i32
      %dma_wait3A_56 = tpu.memref_slice %arg3[%add3A_1, %arg1, %dma_wait3A, %dma_wait3A_55] : memref<4x16x79x128xi32, #tpu.memory_space<hbm>> -> memref<1x1x79x128xi32, #tpu.memory_space<hbm>>
      %dma_wait3A_57 = tpu.memref_squeeze %dma_wait3A_56 : memref<1x1x79x128xi32, #tpu.memory_space<hbm>> -> memref<79x128xi32, #tpu.memory_space<hbm>>
      %dma_wait3A_58 = arith.constant 0 : i32
      %dma_wait3A_59 = arith.constant 0 : i32
      %dma_wait3A_60 = tpu.memref_slice %arg3[%add3A_1, %arg1, %dma_wait3A_58, %dma_wait3A_59] : memref<4x16x79x128xi32, #tpu.memory_space<hbm>> -> memref<1x1x79x128xi32, #tpu.memory_space<hbm>>
      %dma_wait3A_61 = tpu.memref_squeeze %dma_wait3A_60 : memref<1x1x79x128xi32, #tpu.memory_space<hbm>> -> memref<79x128xi32, #tpu.memory_space<hbm>>
      tpu.wait_dma2 semaphore(%run_scoped3A : memref<!tpu.dma_semaphore, #tpu.memory_space<semaphore_mem>>) src(%dma_wait3A_61 : memref<79x128xi32, #tpu.memory_space<hbm>>) dst(%arg6 : memref<79x128xi32, #tpu.memory_space<vmem>>)
      tpu.yield
    }) : () -> ()
    %barrier3A = arith.constant 0 : index
    tpu.barrier barrier_id(%barrier3A)
    %delay3A = arith.constant 500 : i32
    tpu.delay %delay3A
    %barrier3A_9 = arith.constant 0 : index
    tpu.barrier barrier_id(%barrier3A_9)
    %scan3A = arith.constant 0 : i32
    %scan3A_10 = arith.constant 79 : i32
    %scan3A_11 = arith.addi %scan3A, %scan3A_10 : i32
    %scan3A_12 = arith.constant 1 : i32
    scf.for %scan3A_48 = %scan3A to %scan3A_11 step %scan3A_12  : i32 {
      %mul3A_49 = arith.constant 1 : i32
      %mul3A_50 = arith.muli %scan3A_48, %mul3A_49 : i32
      %add3A_51 = arith.constant 0 : i32
      %add3A_52 = arith.addi %add3A_51, %mul3A_50 : i32
      "tpu.region"() ({
        %run_scoped3A = tpu.sem_alloc : memref<!tpu.dma_semaphore, #tpu.memory_space<semaphore_mem>>
        %dma_start3A = arith.constant 0 : i32
        %dma_start3A_53 = tpu.memref_slice %arg6[%add3A_52, %dma_start3A] : memref<79x128xi32, #tpu.memory_space<vmem>> -> memref<1x128xi32, #tpu.memory_space<vmem>>
        %dma_start3A_54 = tpu.memref_squeeze %dma_start3A_53 : memref<1x128xi32, #tpu.memory_space<vmem>> -> memref<128xi32, #tpu.memory_space<vmem>>
        %dma_start3A_55 = arith.constant 0 : i32
        %dma_start3A_56 = arith.constant 0 : i32
        %dma_start3A_57 = tpu.memref_slice %arg2[%dma_start3A_55, %dma_start3A_56] : memref<40960x128xf32, #tpu.memory_space<hbm>> -> memref<40960x128xf32, #tpu.memory_space<hbm>>
        tpu.enqueue_indirect_dma source(%dma_start3A_57 : memref<40960x128xf32, #tpu.memory_space<hbm>>) target(%arg8 : memref<128x128xf32, #tpu.memory_space<vmem>>) offsets(%dma_start3A_54 : memref<128xi32, #tpu.memory_space<vmem>>) semaphore(%run_scoped3A : memref<!tpu.dma_semaphore, #tpu.memory_space<semaphore_mem>>)
        %dma_wait3A = arith.constant 0 : i32
        %dma_wait3A_58 = tpu.memref_slice %arg6[%add3A_52, %dma_wait3A] : memref<79x128xi32, #tpu.memory_space<vmem>> -> memref<1x128xi32, #tpu.memory_space<vmem>>
        %dma_wait3A_59 = tpu.memref_squeeze %dma_wait3A_58 : memref<1x128xi32, #tpu.memory_space<vmem>> -> memref<128xi32, #tpu.memory_space<vmem>>
        %dma_wait3A_60 = arith.constant 0 : i32
        %dma_wait3A_61 = arith.constant 0 : i32
        %dma_wait3A_62 = tpu.memref_slice %arg2[%dma_wait3A_60, %dma_wait3A_61] : memref<40960x128xf32, #tpu.memory_space<hbm>> -> memref<40960x128xf32, #tpu.memory_space<hbm>>
        tpu.wait_indirect_dma semaphore(%run_scoped3A : memref<!tpu.dma_semaphore, #tpu.memory_space<semaphore_mem>>) src(%dma_wait3A_62 : memref<40960x128xf32, #tpu.memory_space<hbm>>) dst(%arg8 : memref<128x128xf32, #tpu.memory_space<vmem>>)
        tpu.yield
      }) : () -> ()
      "tpu.region"() ({
        %run_scoped3A = tpu.sem_alloc : memref<!tpu.dma_semaphore, #tpu.memory_space<semaphore_mem>>
        %dma_start3A = arith.constant 0 : i32
        %dma_start3A_53 = tpu.memref_slice %arg7[%add3A_52, %dma_start3A] : memref<79x128xi32, #tpu.memory_space<vmem>> -> memref<1x128xi32, #tpu.memory_space<vmem>>
        %dma_start3A_54 = tpu.memref_squeeze %dma_start3A_53 : memref<1x128xi32, #tpu.memory_space<vmem>> -> memref<128xi32, #tpu.memory_space<vmem>>
        %dma_start3A_55 = arith.constant 0 : i32
        %dma_start3A_56 = arith.constant 0 : i32
        %dma_start3A_57 = tpu.memref_slice %arg9[%dma_start3A_55, %dma_start3A_56] : memref<10240x128xf32, #tpu.memory_space<vmem_shared>> -> memref<10240x128xf32, #tpu.memory_space<vmem_shared>>
        tpu.enqueue_indirect_dma source(%arg8 : memref<128x128xf32, #tpu.memory_space<vmem>>) target(%dma_start3A_57 : memref<10240x128xf32, #tpu.memory_space<vmem_shared>>) offsets(%dma_start3A_54 : memref<128xi32, #tpu.memory_space<vmem>>) semaphore(%run_scoped3A : memref<!tpu.dma_semaphore, #tpu.memory_space<semaphore_mem>>) {add = true}
        %dma_wait3A = arith.constant 0 : i32
        %dma_wait3A_58 = tpu.memref_slice %arg7[%add3A_52, %dma_wait3A] : memref<79x128xi32, #tpu.memory_space<vmem>> -> memref<1x128xi32, #tpu.memory_space<vmem>>
        %dma_wait3A_59 = tpu.memref_squeeze %dma_wait3A_58 : memref<1x128xi32, #tpu.memory_space<vmem>> -> memref<128xi32, #tpu.memory_space<vmem>>
        %dma_wait3A_60 = arith.constant 0 : i32
        %dma_wait3A_61 = arith.constant 0 : i32
        %dma_wait3A_62 = tpu.memref_slice %arg9[%dma_wait3A_60, %dma_wait3A_61] : memref<10240x128xf32, #tpu.memory_space<vmem_shared>> -> memref<10240x128xf32, #tpu.memory_space<vmem_shared>>
        tpu.wait_indirect_dma semaphore(%run_scoped3A : memref<!tpu.dma_semaphore, #tpu.memory_space<semaphore_mem>>) src(%arg8 : memref<128x128xf32, #tpu.memory_space<vmem>>) dst(%dma_wait3A_62 : memref<10240x128xf32, #tpu.memory_space<vmem_shared>>)
        tpu.yield
      }) : () -> ()
    }
    %scan3A_13 = arith.constant 79 : i32
    %barrier3A_14 = arith.constant 0 : index
    tpu.barrier barrier_id(%barrier3A_14)
    %delay3A_15 = arith.constant 500 : i32
    tpu.delay %delay3A_15
    %barrier3A_16 = arith.constant 0 : index
    tpu.barrier barrier_id(%barrier3A_16)
    %mul3A_17 = arith.constant 640 : i32
    %mul3A_18 = arith.muli %arg1, %mul3A_17 : i32
    %mul3A_19 = arith.constant 640 : i32
    %mul3A_20 = arith.muli %arg1, %mul3A_19 : i32
    "tpu.region"() ({
      %run_scoped3A = tpu.sem_alloc : memref<!tpu.dma_semaphore, #tpu.memory_space<semaphore_mem>>
      %dma_start3A = arith.constant 0 : i32
      %dma_start3A_48 = tpu.memref_slice %arg5[%add3A_1, %mul3A_20, %dma_start3A] : memref<4x10240x128xf32, #tpu.memory_space<hbm>> -> memref<1x640x128xf32, #tpu.memory_space<hbm>>
      %dma_start3A_49 = tpu.memref_squeeze %dma_start3A_48 : memref<1x640x128xf32, #tpu.memory_space<hbm>> -> memref<640x128xf32, #tpu.memory_space<hbm>>
      %dma_start3A_50 = arith.constant 0 : i32
      %dma_start3A_51 = tpu.memref_slice %arg9[%mul3A_18, %dma_start3A_50] : memref<10240x128xf32, #tpu.memory_space<vmem_shared>> -> memref<640x128xf32, #tpu.memory_space<vmem_shared>>
      tpu.enqueue_dma source(%dma_start3A_51 : memref<640x128xf32, #tpu.memory_space<vmem_shared>>) target(%dma_start3A_49 : memref<640x128xf32, #tpu.memory_space<hbm>>) target_semaphore(%run_scoped3A : memref<!tpu.dma_semaphore, #tpu.memory_space<semaphore_mem>>)
      %dma_wait3A = arith.constant 0 : i32
      %dma_wait3A_52 = tpu.memref_slice %arg5[%add3A_1, %mul3A_20, %dma_wait3A] : memref<4x10240x128xf32, #tpu.memory_space<hbm>> -> memref<1x640x128xf32, #tpu.memory_space<hbm>>
      %dma_wait3A_53 = tpu.memref_squeeze %dma_wait3A_52 : memref<1x640x128xf32, #tpu.memory_space<hbm>> -> memref<640x128xf32, #tpu.memory_space<hbm>>
      %dma_wait3A_54 = arith.constant 0 : i32
      %dma_wait3A_55 = tpu.memref_slice %arg9[%mul3A_18, %dma_wait3A_54] : memref<10240x128xf32, #tpu.memory_space<vmem_shared>> -> memref<640x128xf32, #tpu.memory_space<vmem_shared>>
      tpu.wait_dma2 semaphore(%run_scoped3A : memref<!tpu.dma_semaphore, #tpu.memory_space<semaphore_mem>>) src(%dma_wait3A_55 : memref<640x128xf32, #tpu.memory_space<vmem_shared>>) dst(%dma_wait3A_53 : memref<640x128xf32, #tpu.memory_space<hbm>>)
      tpu.yield
    }) : () -> ()
    %barrier3A_21 = arith.constant 0 : index
    tpu.barrier barrier_id(%barrier3A_21)
    %mul3A_22 = arith.constant 2 : i32
    %mul3A_23 = arith.muli %arg0, %mul3A_22 : i32
    %add3A_24 = arith.constant 1 : i32
    %add3A_25 = arith.addi %mul3A_23, %add3A_24 : i32
    %mul3A_26 = arith.constant 10240 : i32
    %mul3A_27 = arith.muli %add3A_25, %mul3A_26 : i32
    %mul3A_28 = arith.constant 640 : i32
    %mul3A_29 = arith.muli %arg1, %mul3A_28 : i32
    %add3A_30 = arith.addi %mul3A_27, %mul3A_29 : i32
    %mul3A_31 = arith.constant 640 : i32
    %mul3A_32 = arith.muli %arg1, %mul3A_31 : i32
    "tpu.region"() ({
      %run_scoped3A = tpu.sem_alloc : memref<!tpu.dma_semaphore, #tpu.memory_space<semaphore_mem>>
      %dma_start3A = arith.constant 0 : i32
      %dma_start3A_48 = tpu.memref_slice %arg9[%mul3A_32, %dma_start3A] : memref<10240x128xf32, #tpu.memory_space<vmem_shared>> -> memref<640x128xf32, #tpu.memory_space<vmem_shared>>
      %dma_start3A_49 = arith.constant 0 : i32
      %dma_start3A_50 = tpu.memref_slice %arg2[%add3A_30, %dma_start3A_49] : memref<40960x128xf32, #tpu.memory_space<hbm>> -> memref<640x128xf32, #tpu.memory_space<hbm>>
      tpu.enqueue_dma source(%dma_start3A_50 : memref<640x128xf32, #tpu.memory_space<hbm>>) target(%dma_start3A_48 : memref<640x128xf32, #tpu.memory_space<vmem_shared>>) target_semaphore(%run_scoped3A : memref<!tpu.dma_semaphore, #tpu.memory_space<semaphore_mem>>)
      %dma_wait3A = arith.constant 0 : i32
      %dma_wait3A_51 = tpu.memref_slice %arg9[%mul3A_32, %dma_wait3A] : memref<10240x128xf32, #tpu.memory_space<vmem_shared>> -> memref<640x128xf32, #tpu.memory_space<vmem_shared>>
      %dma_wait3A_52 = arith.constant 0 : i32
      %dma_wait3A_53 = tpu.memref_slice %arg2[%add3A_30, %dma_wait3A_52] : memref<40960x128xf32, #tpu.memory_space<hbm>> -> memref<640x128xf32, #tpu.memory_space<hbm>>
      tpu.wait_dma2 semaphore(%run_scoped3A : memref<!tpu.dma_semaphore, #tpu.memory_space<semaphore_mem>>) src(%dma_wait3A_53 : memref<640x128xf32, #tpu.memory_space<hbm>>) dst(%dma_wait3A_51 : memref<640x128xf32, #tpu.memory_space<vmem_shared>>)
      tpu.yield
    }) : () -> ()
    "tpu.region"() ({
      %run_scoped3A = tpu.sem_alloc : memref<!tpu.dma_semaphore, #tpu.memory_space<semaphore_mem>>
      %dma_start3A = arith.constant 0 : i32
      %dma_start3A_48 = arith.constant 0 : i32
      %dma_start3A_49 = tpu.memref_slice %arg3[%add3A_25, %arg1, %dma_start3A, %dma_start3A_48] : memref<4x16x79x128xi32, #tpu.memory_space<hbm>> -> memref<1x1x79x128xi32, #tpu.memory_space<hbm>>
      %dma_start3A_50 = tpu.memref_squeeze %dma_start3A_49 : memref<1x1x79x128xi32, #tpu.memory_space<hbm>> -> memref<79x128xi32, #tpu.memory_space<hbm>>
      %dma_start3A_51 = arith.constant 0 : i32
      %dma_start3A_52 = arith.constant 0 : i32
      %dma_start3A_53 = tpu.memref_slice %arg3[%add3A_25, %arg1, %dma_start3A_51, %dma_start3A_52] : memref<4x16x79x128xi32, #tpu.memory_space<hbm>> -> memref<1x1x79x128xi32, #tpu.memory_space<hbm>>
      %dma_start3A_54 = tpu.memref_squeeze %dma_start3A_53 : memref<1x1x79x128xi32, #tpu.memory_space<hbm>> -> memref<79x128xi32, #tpu.memory_space<hbm>>
      tpu.enqueue_dma source(%dma_start3A_54 : memref<79x128xi32, #tpu.memory_space<hbm>>) target(%arg6 : memref<79x128xi32, #tpu.memory_space<vmem>>) target_semaphore(%run_scoped3A : memref<!tpu.dma_semaphore, #tpu.memory_space<semaphore_mem>>)
      %dma_wait3A = arith.constant 0 : i32
      %dma_wait3A_55 = arith.constant 0 : i32
      %dma_wait3A_56 = tpu.memref_slice %arg3[%add3A_25, %arg1, %dma_wait3A, %dma_wait3A_55] : memref<4x16x79x128xi32, #tpu.memory_space<hbm>> -> memref<1x1x79x128xi32, #tpu.memory_space<hbm>>
      %dma_wait3A_57 = tpu.memref_squeeze %dma_wait3A_56 : memref<1x1x79x128xi32, #tpu.memory_space<hbm>> -> memref<79x128xi32, #tpu.memory_space<hbm>>
      %dma_wait3A_58 = arith.constant 0 : i32
      %dma_wait3A_59 = arith.constant 0 : i32
      %dma_wait3A_60 = tpu.memref_slice %arg3[%add3A_25, %arg1, %dma_wait3A_58, %dma_wait3A_59] : memref<4x16x79x128xi32, #tpu.memory_space<hbm>> -> memref<1x1x79x128xi32, #tpu.memory_space<hbm>>
      %dma_wait3A_61 = tpu.memref_squeeze %dma_wait3A_60 : memref<1x1x79x128xi32, #tpu.memory_space<hbm>> -> memref<79x128xi32, #tpu.memory_space<hbm>>
      tpu.wait_dma2 semaphore(%run_scoped3A : memref<!tpu.dma_semaphore, #tpu.memory_space<semaphore_mem>>) src(%dma_wait3A_61 : memref<79x128xi32, #tpu.memory_space<hbm>>) dst(%arg6 : memref<79x128xi32, #tpu.memory_space<vmem>>)
      tpu.yield
    }) : () -> ()
    %barrier3A_33 = arith.constant 0 : index
    tpu.barrier barrier_id(%barrier3A_33)
    %delay3A_34 = arith.constant 500 : i32
    tpu.delay %delay3A_34
    %barrier3A_35 = arith.constant 0 : index
    tpu.barrier barrier_id(%barrier3A_35)
    %scan3A_36 = arith.constant 0 : i32
    %scan3A_37 = arith.constant 79 : i32
    %scan3A_38 = arith.addi %scan3A_36, %scan3A_37 : i32
    %scan3A_39 = arith.constant 1 : i32
    scf.for %scan3A_48 = %scan3A_36 to %scan3A_38 step %scan3A_39  : i32 {
      %mul3A_49 = arith.constant 1 : i32
      %mul3A_50 = arith.muli %scan3A_48, %mul3A_49 : i32
      %add3A_51 = arith.constant 0 : i32
      %add3A_52 = arith.addi %add3A_51, %mul3A_50 : i32
      "tpu.region"() ({
        %run_scoped3A = tpu.sem_alloc : memref<!tpu.dma_semaphore, #tpu.memory_space<semaphore_mem>>
        %dma_start3A = arith.constant 0 : i32
        %dma_start3A_53 = tpu.memref_slice %arg6[%add3A_52, %dma_start3A] : memref<79x128xi32, #tpu.memory_space<vmem>> -> memref<1x128xi32, #tpu.memory_space<vmem>>
        %dma_start3A_54 = tpu.memref_squeeze %dma_start3A_53 : memref<1x128xi32, #tpu.memory_space<vmem>> -> memref<128xi32, #tpu.memory_space<vmem>>
        %dma_start3A_55 = arith.constant 0 : i32
        %dma_start3A_56 = arith.constant 0 : i32
        %dma_start3A_57 = tpu.memref_slice %arg2[%dma_start3A_55, %dma_start3A_56] : memref<40960x128xf32, #tpu.memory_space<hbm>> -> memref<40960x128xf32, #tpu.memory_space<hbm>>
        tpu.enqueue_indirect_dma source(%dma_start3A_57 : memref<40960x128xf32, #tpu.memory_space<hbm>>) target(%arg8 : memref<128x128xf32, #tpu.memory_space<vmem>>) offsets(%dma_start3A_54 : memref<128xi32, #tpu.memory_space<vmem>>) semaphore(%run_scoped3A : memref<!tpu.dma_semaphore, #tpu.memory_space<semaphore_mem>>)
        %dma_wait3A = arith.constant 0 : i32
        %dma_wait3A_58 = tpu.memref_slice %arg6[%add3A_52, %dma_wait3A] : memref<79x128xi32, #tpu.memory_space<vmem>> -> memref<1x128xi32, #tpu.memory_space<vmem>>
        %dma_wait3A_59 = tpu.memref_squeeze %dma_wait3A_58 : memref<1x128xi32, #tpu.memory_space<vmem>> -> memref<128xi32, #tpu.memory_space<vmem>>
        %dma_wait3A_60 = arith.constant 0 : i32
        %dma_wait3A_61 = arith.constant 0 : i32
        %dma_wait3A_62 = tpu.memref_slice %arg2[%dma_wait3A_60, %dma_wait3A_61] : memref<40960x128xf32, #tpu.memory_space<hbm>> -> memref<40960x128xf32, #tpu.memory_space<hbm>>
        tpu.wait_indirect_dma semaphore(%run_scoped3A : memref<!tpu.dma_semaphore, #tpu.memory_space<semaphore_mem>>) src(%dma_wait3A_62 : memref<40960x128xf32, #tpu.memory_space<hbm>>) dst(%arg8 : memref<128x128xf32, #tpu.memory_space<vmem>>)
        tpu.yield
      }) : () -> ()
      "tpu.region"() ({
        %run_scoped3A = tpu.sem_alloc : memref<!tpu.dma_semaphore, #tpu.memory_space<semaphore_mem>>
        %dma_start3A = arith.constant 0 : i32
        %dma_start3A_53 = tpu.memref_slice %arg7[%add3A_52, %dma_start3A] : memref<79x128xi32, #tpu.memory_space<vmem>> -> memref<1x128xi32, #tpu.memory_space<vmem>>
        %dma_start3A_54 = tpu.memref_squeeze %dma_start3A_53 : memref<1x128xi32, #tpu.memory_space<vmem>> -> memref<128xi32, #tpu.memory_space<vmem>>
        %dma_start3A_55 = arith.constant 0 : i32
        %dma_start3A_56 = arith.constant 0 : i32
        %dma_start3A_57 = tpu.memref_slice %arg9[%dma_start3A_55, %dma_start3A_56] : memref<10240x128xf32, #tpu.memory_space<vmem_shared>> -> memref<10240x128xf32, #tpu.memory_space<vmem_shared>>
        tpu.enqueue_indirect_dma source(%arg8 : memref<128x128xf32, #tpu.memory_space<vmem>>) target(%dma_start3A_57 : memref<10240x128xf32, #tpu.memory_space<vmem_shared>>) offsets(%dma_start3A_54 : memref<128xi32, #tpu.memory_space<vmem>>) semaphore(%run_scoped3A : memref<!tpu.dma_semaphore, #tpu.memory_space<semaphore_mem>>) {add = true}
        %dma_wait3A = arith.constant 0 : i32
        %dma_wait3A_58 = tpu.memref_slice %arg7[%add3A_52, %dma_wait3A] : memref<79x128xi32, #tpu.memory_space<vmem>> -> memref<1x128xi32, #tpu.memory_space<vmem>>
        %dma_wait3A_59 = tpu.memref_squeeze %dma_wait3A_58 : memref<1x128xi32, #tpu.memory_space<vmem>> -> memref<128xi32, #tpu.memory_space<vmem>>
        %dma_wait3A_60 = arith.constant 0 : i32
        %dma_wait3A_61 = arith.constant 0 : i32
        %dma_wait3A_62 = tpu.memref_slice %arg9[%dma_wait3A_60, %dma_wait3A_61] : memref<10240x128xf32, #tpu.memory_space<vmem_shared>> -> memref<10240x128xf32, #tpu.memory_space<vmem_shared>>
        tpu.wait_indirect_dma semaphore(%run_scoped3A : memref<!tpu.dma_semaphore, #tpu.memory_space<semaphore_mem>>) src(%arg8 : memref<128x128xf32, #tpu.memory_space<vmem>>) dst(%dma_wait3A_62 : memref<10240x128xf32, #tpu.memory_space<vmem_shared>>)
        tpu.yield
      }) : () -> ()
    }
    %scan3A_40 = arith.constant 79 : i32
    %barrier3A_41 = arith.constant 0 : index
    tpu.barrier barrier_id(%barrier3A_41)
    %delay3A_42 = arith.constant 500 : i32
    tpu.delay %delay3A_42
    %barrier3A_43 = arith.constant 0 : index
    tpu.barrier barrier_id(%barrier3A_43)
    %mul3A_44 = arith.constant 640 : i32
    %mul3A_45 = arith.muli %arg1, %mul3A_44 : i32
    %mul3A_46 = arith.constant 640 : i32
    %mul3A_47 = arith.muli %arg1, %mul3A_46 : i32
    "tpu.region"() ({
      %run_scoped3A = tpu.sem_alloc : memref<!tpu.dma_semaphore, #tpu.memory_space<semaphore_mem>>
      %dma_start3A = arith.constant 0 : i32
      %dma_start3A_48 = tpu.memref_slice %arg5[%add3A_25, %mul3A_47, %dma_start3A] : memref<4x10240x128xf32, #tpu.memory_space<hbm>> -> memref<1x640x128xf32, #tpu.memory_space<hbm>>
      %dma_start3A_49 = tpu.memref_squeeze %dma_start3A_48 : memref<1x640x128xf32, #tpu.memory_space<hbm>> -> memref<640x128xf32, #tpu.memory_space<hbm>>
      %dma_start3A_50 = arith.constant 0 : i32
      %dma_start3A_51 = tpu.memref_slice %arg9[%mul3A_45, %dma_start3A_50] : memref<10240x128xf32, #tpu.memory_space<vmem_shared>> -> memref<640x128xf32, #tpu.memory_space<vmem_shared>>
      tpu.enqueue_dma source(%dma_start3A_51 : memref<640x128xf32, #tpu.memory_space<vmem_shared>>) target(%dma_start3A_49 : memref<640x128xf32, #tpu.memory_space<hbm>>) target_semaphore(%run_scoped3A : memref<!tpu.dma_semaphore, #tpu.memory_space<semaphore_mem>>)
      %dma_wait3A = arith.constant 0 : i32
      %dma_wait3A_52 = tpu.memref_slice %arg5[%add3A_25, %mul3A_47, %dma_wait3A] : memref<4x10240x128xf32, #tpu.memory_space<hbm>> -> memref<1x640x128xf32, #tpu.memory_space<hbm>>
      %dma_wait3A_53 = tpu.memref_squeeze %dma_wait3A_52 : memref<1x640x128xf32, #tpu.memory_space<hbm>> -> memref<640x128xf32, #tpu.memory_space<hbm>>
      %dma_wait3A_54 = arith.constant 0 : i32
      %dma_wait3A_55 = tpu.memref_slice %arg9[%mul3A_45, %dma_wait3A_54] : memref<10240x128xf32, #tpu.memory_space<vmem_shared>> -> memref<640x128xf32, #tpu.memory_space<vmem_shared>>
      tpu.wait_dma2 semaphore(%run_scoped3A : memref<!tpu.dma_semaphore, #tpu.memory_space<semaphore_mem>>) src(%dma_wait3A_55 : memref<640x128xf32, #tpu.memory_space<vmem_shared>>) dst(%dma_wait3A_53 : memref<640x128xf32, #tpu.memory_space<hbm>>)
      tpu.yield
    }) : () -> ()
    return
  }
}

#map = affine_map<(d0, d1) -> (0, 0)>
#map1 = affine_map<(d0, d1) -> (0, 0, 0, 0)>
#map2 = affine_map<(d0, d1) -> (0, 0, 0)>
module attributes {stable_mosaic.version = 14 : i64} {
  func.func @agg(%arg0: i32, %arg1: i32, %arg2: memref<40960x128xf32, #tpu.memory_space<hbm>>, %arg3: memref<4x16x79x128xi32, #tpu.memory_space<hbm>>, %arg4: memref<16x79x128xi32, #tpu.memory_space<hbm>>, %arg5: memref<4x10240x128xf32, #tpu.memory_space<hbm>>, %arg6: memref<79x128xi32, #tpu.memory_space<vmem>>, %arg7: memref<79x128xi32, #tpu.memory_space<vmem>>, %arg8: memref<128x128xf32, #tpu.memory_space<vmem>>, %arg9: memref<10240x128xf32, #tpu.memory_space<vmem_shared>>) attributes {dimension_semantics = [#tpu.dimension_semantics<core_parallel>, #tpu.dimension_semantics<subcore_parallel>], iteration_bounds = array<i64: 2, 16>, scalar_prefetch = 0 : i64, scratch_operands = 4 : i64, tpu.core_type = #tpu.core_type<sc_vector_subcore>, window_params = [{transform_indices = #map}, {transform_indices = #map1}, {transform_indices = #map2}, {transform_indices = #map2}]} {
    "tpu.region"() ({
      %run_scoped3A = tpu.sem_alloc : memref<!tpu.dma_semaphore, #tpu.memory_space<semaphore_mem>>
      %dma_start3A = arith.constant 0 : i32
      %dma_start3A_48 = arith.constant 0 : i32
      %dma_start3A_49 = tpu.memref_slice %arg4[%arg1, %dma_start3A, %dma_start3A_48] : memref<16x79x128xi32, #tpu.memory_space<hbm>> -> memref<1x79x128xi32, #tpu.memory_space<hbm>>
      %dma_start3A_50 = tpu.memref_squeeze %dma_start3A_49 : memref<1x79x128xi32, #tpu.memory_space<hbm>> -> memref<79x128xi32, #tpu.memory_space<hbm>>
      %dma_start3A_51 = arith.constant 0 : i32
      %dma_start3A_52 = arith.constant 0 : i32
      %dma_start3A_53 = tpu.memref_slice %arg4[%arg1, %dma_start3A_51, %dma_start3A_52] : memref<16x79x128xi32, #tpu.memory_space<hbm>> -> memref<1x79x128xi32, #tpu.memory_space<hbm>>
      %dma_start3A_54 = tpu.memref_squeeze %dma_start3A_53 : memref<1x79x128xi32, #tpu.memory_space<hbm>> -> memref<79x128xi32, #tpu.memory_space<hbm>>
      tpu.enqueue_dma source(%dma_start3A_54 : memref<79x128xi32, #tpu.memory_space<hbm>>) target(%arg7 : memref<79x128xi32, #tpu.memory_space<vmem>>) target_semaphore(%run_scoped3A : memref<!tpu.dma_semaphore, #tpu.memory_space<semaphore_mem>>)
      %dma_wait3A = arith.constant 0 : i32
      %dma_wait3A_55 = arith.constant 0 : i32
      %dma_wait3A_56 = tpu.memref_slice %arg4[%arg1, %dma_wait3A, %dma_wait3A_55] : memref<16x79x128xi32, #tpu.memory_space<hbm>> -> memref<1x79x128xi32, #tpu.memory_space<hbm>>
      %dma_wait3A_57 = tpu.memref_squeeze %dma_wait3A_56 : memref<1x79x128xi32, #tpu.memory_space<hbm>> -> memref<79x128xi32, #tpu.memory_space<hbm>>
      %dma_wait3A_58 = arith.constant 0 : i32
      %dma_wait3A_59 = arith.constant 0 : i32
      %dma_wait3A_60 = tpu.memref_slice %arg4[%arg1, %dma_wait3A_58, %dma_wait3A_59] : memref<16x79x128xi32, #tpu.memory_space<hbm>> -> memref<1x79x128xi32, #tpu.memory_space<hbm>>
      %dma_wait3A_61 = tpu.memref_squeeze %dma_wait3A_60 : memref<1x79x128xi32, #tpu.memory_space<hbm>> -> memref<79x128xi32, #tpu.memory_space<hbm>>
      tpu.wait_dma2 semaphore(%run_scoped3A : memref<!tpu.dma_semaphore, #tpu.memory_space<semaphore_mem>>) src(%dma_wait3A_61 : memref<79x128xi32, #tpu.memory_space<hbm>>) dst(%arg7 : memref<79x128xi32, #tpu.memory_space<vmem>>)
      tpu.yield
    }) : () -> ()
    %mul3A = arith.constant 2 : i32
    %mul3A_0 = arith.muli %arg0, %mul3A : i32
    %add3A = arith.constant 0 : i32
    %add3A_1 = arith.addi %mul3A_0, %add3A : i32
    %mul3A_2 = arith.constant 10240 : i32
    %mul3A_3 = arith.muli %add3A_1, %mul3A_2 : i32
    %mul3A_4 = arith.constant 640 : i32
    %mul3A_5 = arith.muli %arg1, %mul3A_4 : i32
    %add3A_6 = arith.addi %mul3A_3, %mul3A_5 : i32
    %mul3A_7 = arith.constant 640 : i32
    %mul3A_8 = arith.muli %arg1, %mul3A_7 : i32
    "tpu.region"() ({
      %run_scoped3A = tpu.sem_alloc : memref<!tpu.dma_semaphore, #tpu.memory_space<semaphore_mem>>
      %dma_start3A = arith.constant 0 : i32
      %dma_start3A_48 = tpu.memref_slice %arg9[%mul3A_8, %dma_start3A] : memref<10240x128xf32, #tpu.memory_space<vmem_shared>> -> memref<640x128xf32, #tpu.memory_space<vmem_shared>>
      %dma_start3A_49 = arith.constant 0 : i32
      %dma_start3A_50 = tpu.memref_slice %arg2[%add3A_6, %dma_start3A_49] : memref<40960x128xf32, #tpu.memory_space<hbm>> -> memref<640x128xf32, #tpu.memory_space<hbm>>
      tpu.enqueue_dma source(%dma_start3A_50 : memref<640x128xf32, #tpu.memory_space<hbm>>) target(%dma_start3A_48 : memref<640x128xf32, #tpu.memory_space<vmem_shared>>) target_semaphore(%run_scoped3A : memref<!tpu.dma_semaphore, #tpu.memory_space<semaphore_mem>>)
      %dma_wait3A = arith.constant 0 : i32
      %dma_wait3A_51 = tpu.memref_slice %arg9[%mul3A_8, %dma_wait3A] : memref<10240x128xf32, #tpu.memory_space<vmem_shared>> -> memref<640x128xf32, #tpu.memory_space<vmem_shared>>
      %dma_wait3A_52 = arith.constant 0 : i32
      %dma_wait3A_53 = tpu.memref_slice %arg2[%add3A_6, %dma_wait3A_52] : memref<40960x128xf32, #tpu.memory_space<hbm>> -> memref<640x128xf32, #tpu.memory_space<hbm>>
      tpu.wait_dma2 semaphore(%run_scoped3A : memref<!tpu.dma_semaphore, #tpu.memory_space<semaphore_mem>>) src(%dma_wait3A_53 : memref<640x128xf32, #tpu.memory_space<hbm>>) dst(%dma_wait3A_51 : memref<640x128xf32, #tpu.memory_space<vmem_shared>>)
      tpu.yield
    }) : () -> ()
    "tpu.region"() ({
      %run_scoped3A = tpu.sem_alloc : memref<!tpu.dma_semaphore, #tpu.memory_space<semaphore_mem>>
      %dma_start3A = arith.constant 0 : i32
      %dma_start3A_48 = arith.constant 0 : i32
      %dma_start3A_49 = tpu.memref_slice %arg3[%add3A_1, %arg1, %dma_start3A, %dma_start3A_48] : memref<4x16x79x128xi32, #tpu.memory_space<hbm>> -> memref<1x1x79x128xi32, #tpu.memory_space<hbm>>
      %dma_start3A_50 = tpu.memref_squeeze %dma_start3A_49 : memref<1x1x79x128xi32, #tpu.memory_space<hbm>> -> memref<79x128xi32, #tpu.memory_space<hbm>>
      %dma_start3A_51 = arith.constant 0 : i32
      %dma_start3A_52 = arith.constant 0 : i32
      %dma_start3A_53 = tpu.memref_slice %arg3[%add3A_1, %arg1, %dma_start3A_51, %dma_start3A_52] : memref<4x16x79x128xi32, #tpu.memory_space<hbm>> -> memref<1x1x79x128xi32, #tpu.memory_space<hbm>>
      %dma_start3A_54 = tpu.memref_squeeze %dma_start3A_53 : memref<1x1x79x128xi32, #tpu.memory_space<hbm>> -> memref<79x128xi32, #tpu.memory_space<hbm>>
      tpu.enqueue_dma source(%dma_start3A_54 : memref<79x128xi32, #tpu.memory_space<hbm>>) target(%arg6 : memref<79x128xi32, #tpu.memory_space<vmem>>) target_semaphore(%run_scoped3A : memref<!tpu.dma_semaphore, #tpu.memory_space<semaphore_mem>>)
      %dma_wait3A = arith.constant 0 : i32
      %dma_wait3A_55 = arith.constant 0 : i32
      %dma_wait3A_56 = tpu.memref_slice %arg3[%add3A_1, %arg1, %dma_wait3A, %dma_wait3A_55] : memref<4x16x79x128xi32, #tpu.memory_space<hbm>> -> memref<1x1x79x128xi32, #tpu.memory_space<hbm>>
      %dma_wait3A_57 = tpu.memref_squeeze %dma_wait3A_56 : memref<1x1x79x128xi32, #tpu.memory_space<hbm>> -> memref<79x128xi32, #tpu.memory_space<hbm>>
      %dma_wait3A_58 = arith.constant 0 : i32
      %dma_wait3A_59 = arith.constant 0 : i32
      %dma_wait3A_60 = tpu.memref_slice %arg3[%add3A_1, %arg1, %dma_wait3A_58, %dma_wait3A_59] : memref<4x16x79x128xi32, #tpu.memory_space<hbm>> -> memref<1x1x79x128xi32, #tpu.memory_space<hbm>>
      %dma_wait3A_61 = tpu.memref_squeeze %dma_wait3A_60 : memref<1x1x79x128xi32, #tpu.memory_space<hbm>> -> memref<79x128xi32, #tpu.memory_space<hbm>>
      tpu.wait_dma2 semaphore(%run_scoped3A : memref<!tpu.dma_semaphore, #tpu.memory_space<semaphore_mem>>) src(%dma_wait3A_61 : memref<79x128xi32, #tpu.memory_space<hbm>>) dst(%arg6 : memref<79x128xi32, #tpu.memory_space<vmem>>)
      tpu.yield
    }) : () -> ()
    %barrier3A = arith.constant 0 : index
    tpu.barrier barrier_id(%barrier3A)
    %delay3A = arith.constant 500 : i32
    tpu.delay %delay3A
    %barrier3A_9 = arith.constant 0 : index
    tpu.barrier barrier_id(%barrier3A_9)
    %scan3A = arith.constant 0 : i32
    %scan3A_10 = arith.constant 79 : i32
    %scan3A_11 = arith.addi %scan3A, %scan3A_10 : i32
    %scan3A_12 = arith.constant 1 : i32
    scf.for %scan3A_48 = %scan3A to %scan3A_11 step %scan3A_12  : i32 {
      %mul3A_49 = arith.constant 1 : i32
      %mul3A_50 = arith.muli %scan3A_48, %mul3A_49 : i32
      %add3A_51 = arith.constant 0 : i32
      %add3A_52 = arith.addi %add3A_51, %mul3A_50 : i32
      "tpu.region"() ({
        %run_scoped3A = tpu.sem_alloc : memref<!tpu.dma_semaphore, #tpu.memory_space<semaphore_mem>>
        %dma_start3A = arith.constant 0 : i32
        %dma_start3A_53 = tpu.memref_slice %arg6[%add3A_52, %dma_start3A] : memref<79x128xi32, #tpu.memory_space<vmem>> -> memref<1x128xi32, #tpu.memory_space<vmem>>
        %dma_start3A_54 = tpu.memref_squeeze %dma_start3A_53 : memref<1x128xi32, #tpu.memory_space<vmem>> -> memref<128xi32, #tpu.memory_space<vmem>>
        %dma_start3A_55 = arith.constant 0 : i32
        %dma_start3A_56 = arith.constant 0 : i32
        %dma_start3A_57 = tpu.memref_slice %arg2[%dma_start3A_55, %dma_start3A_56] : memref<40960x128xf32, #tpu.memory_space<hbm>> -> memref<40960x128xf32, #tpu.memory_space<hbm>>
        tpu.enqueue_indirect_dma source(%dma_start3A_57 : memref<40960x128xf32, #tpu.memory_space<hbm>>) target(%arg8 : memref<128x128xf32, #tpu.memory_space<vmem>>) offsets(%dma_start3A_54 : memref<128xi32, #tpu.memory_space<vmem>>) semaphore(%run_scoped3A : memref<!tpu.dma_semaphore, #tpu.memory_space<semaphore_mem>>)
        %dma_wait3A = arith.constant 0 : i32
        %dma_wait3A_58 = tpu.memref_slice %arg6[%add3A_52, %dma_wait3A] : memref<79x128xi32, #tpu.memory_space<vmem>> -> memref<1x128xi32, #tpu.memory_space<vmem>>
        %dma_wait3A_59 = tpu.memref_squeeze %dma_wait3A_58 : memref<1x128xi32, #tpu.memory_space<vmem>> -> memref<128xi32, #tpu.memory_space<vmem>>
        %dma_wait3A_60 = arith.constant 0 : i32
        %dma_wait3A_61 = arith.constant 0 : i32
        %dma_wait3A_62 = tpu.memref_slice %arg2[%dma_wait3A_60, %dma_wait3A_61] : memref<40960x128xf32, #tpu.memory_space<hbm>> -> memref<40960x128xf32, #tpu.memory_space<hbm>>
        tpu.wait_indirect_dma semaphore(%run_scoped3A : memref<!tpu.dma_semaphore, #tpu.memory_space<semaphore_mem>>) src(%dma_wait3A_62 : memref<40960x128xf32, #tpu.memory_space<hbm>>) dst(%arg8 : memref<128x128xf32, #tpu.memory_space<vmem>>)
        tpu.yield
      }) : () -> ()
      "tpu.region"() ({
        %run_scoped3A = tpu.sem_alloc : memref<!tpu.dma_semaphore, #tpu.memory_space<semaphore_mem>>
        %dma_start3A = arith.constant 0 : i32
        %dma_start3A_53 = tpu.memref_slice %arg7[%add3A_52, %dma_start3A] : memref<79x128xi32, #tpu.memory_space<vmem>> -> memref<1x128xi32, #tpu.memory_space<vmem>>
        %dma_start3A_54 = tpu.memref_squeeze %dma_start3A_53 : memref<1x128xi32, #tpu.memory_space<vmem>> -> memref<128xi32, #tpu.memory_space<vmem>>
        %dma_start3A_55 = arith.constant 0 : i32
        %dma_start3A_56 = arith.constant 0 : i32
        %dma_start3A_57 = tpu.memref_slice %arg9[%dma_start3A_55, %dma_start3A_56] : memref<10240x128xf32, #tpu.memory_space<vmem_shared>> -> memref<10240x128xf32, #tpu.memory_space<vmem_shared>>
        tpu.enqueue_indirect_dma source(%arg8 : memref<128x128xf32, #tpu.memory_space<vmem>>) target(%dma_start3A_57 : memref<10240x128xf32, #tpu.memory_space<vmem_shared>>) offsets(%dma_start3A_54 : memref<128xi32, #tpu.memory_space<vmem>>) semaphore(%run_scoped3A : memref<!tpu.dma_semaphore, #tpu.memory_space<semaphore_mem>>) {add = true}
        %dma_wait3A = arith.constant 0 : i32
        %dma_wait3A_58 = tpu.memref_slice %arg7[%add3A_52, %dma_wait3A] : memref<79x128xi32, #tpu.memory_space<vmem>> -> memref<1x128xi32, #tpu.memory_space<vmem>>
        %dma_wait3A_59 = tpu.memref_squeeze %dma_wait3A_58 : memref<1x128xi32, #tpu.memory_space<vmem>> -> memref<128xi32, #tpu.memory_space<vmem>>
        %dma_wait3A_60 = arith.constant 0 : i32
        %dma_wait3A_61 = arith.constant 0 : i32
        %dma_wait3A_62 = tpu.memref_slice %arg9[%dma_wait3A_60, %dma_wait3A_61] : memref<10240x128xf32, #tpu.memory_space<vmem_shared>> -> memref<10240x128xf32, #tpu.memory_space<vmem_shared>>
        tpu.wait_indirect_dma semaphore(%run_scoped3A : memref<!tpu.dma_semaphore, #tpu.memory_space<semaphore_mem>>) src(%arg8 : memref<128x128xf32, #tpu.memory_space<vmem>>) dst(%dma_wait3A_62 : memref<10240x128xf32, #tpu.memory_space<vmem_shared>>)
        tpu.yield
      }) : () -> ()
    }
    %scan3A_13 = arith.constant 79 : i32
    %barrier3A_14 = arith.constant 0 : index
    tpu.barrier barrier_id(%barrier3A_14)
    %delay3A_15 = arith.constant 500 : i32
    tpu.delay %delay3A_15
    %barrier3A_16 = arith.constant 0 : index
    tpu.barrier barrier_id(%barrier3A_16)
    %mul3A_17 = arith.constant 640 : i32
    %mul3A_18 = arith.muli %arg1, %mul3A_17 : i32
    %mul3A_19 = arith.constant 640 : i32
    %mul3A_20 = arith.muli %arg1, %mul3A_19 : i32
    "tpu.region"() ({
      %run_scoped3A = tpu.sem_alloc : memref<!tpu.dma_semaphore, #tpu.memory_space<semaphore_mem>>
      %dma_start3A = arith.constant 0 : i32
      %dma_start3A_48 = tpu.memref_slice %arg5[%add3A_1, %mul3A_20, %dma_start3A] : memref<4x10240x128xf32, #tpu.memory_space<hbm>> -> memref<1x640x128xf32, #tpu.memory_space<hbm>>
      %dma_start3A_49 = tpu.memref_squeeze %dma_start3A_48 : memref<1x640x128xf32, #tpu.memory_space<hbm>> -> memref<640x128xf32, #tpu.memory_space<hbm>>
      %dma_start3A_50 = arith.constant 0 : i32
      %dma_start3A_51 = tpu.memref_slice %arg9[%mul3A_18, %dma_start3A_50] : memref<10240x128xf32, #tpu.memory_space<vmem_shared>> -> memref<640x128xf32, #tpu.memory_space<vmem_shared>>
      tpu.enqueue_dma source(%dma_start3A_51 : memref<640x128xf32, #tpu.memory_space<vmem_shared>>) target(%dma_start3A_49 : memref<640x128xf32, #tpu.memory_space<hbm>>) target_semaphore(%run_scoped3A : memref<!tpu.dma_semaphore, #tpu.memory_space<semaphore_mem>>)
      %dma_wait3A = arith.constant 0 : i32
      %dma_wait3A_52 = tpu.memref_slice %arg5[%add3A_1, %mul3A_20, %dma_wait3A] : memref<4x10240x128xf32, #tpu.memory_space<hbm>> -> memref<1x640x128xf32, #tpu.memory_space<hbm>>
      %dma_wait3A_53 = tpu.memref_squeeze %dma_wait3A_52 : memref<1x640x128xf32, #tpu.memory_space<hbm>> -> memref<640x128xf32, #tpu.memory_space<hbm>>
      %dma_wait3A_54 = arith.constant 0 : i32
      %dma_wait3A_55 = tpu.memref_slice %arg9[%mul3A_18, %dma_wait3A_54] : memref<10240x128xf32, #tpu.memory_space<vmem_shared>> -> memref<640x128xf32, #tpu.memory_space<vmem_shared>>
      tpu.wait_dma2 semaphore(%run_scoped3A : memref<!tpu.dma_semaphore, #tpu.memory_space<semaphore_mem>>) src(%dma_wait3A_55 : memref<640x128xf32, #tpu.memory_space<vmem_shared>>) dst(%dma_wait3A_53 : memref<640x128xf32, #tpu.memory_space<hbm>>)
      tpu.yield
    }) : () -> ()
    %barrier3A_21 = arith.constant 0 : index
    tpu.barrier barrier_id(%barrier3A_21)
    %mul3A_22 = arith.constant 2 : i32
    %mul3A_23 = arith.muli %arg0, %mul3A_22 : i32
    %add3A_24 = arith.constant 1 : i32
    %add3A_25 = arith.addi %mul3A_23, %add3A_24 : i32
    %mul3A_26 = arith.constant 10240 : i32
    %mul3A_27 = arith.muli %add3A_25, %mul3A_26 : i32
    %mul3A_28 = arith.constant 640 : i32
    %mul3A_29 = arith.muli %arg1, %mul3A_28 : i32
    %add3A_30 = arith.addi %mul3A_27, %mul3A_29 : i32
    %mul3A_31 = arith.constant 640 : i32
    %mul3A_32 = arith.muli %arg1, %mul3A_31 : i32
    "tpu.region"() ({
      %run_scoped3A = tpu.sem_alloc : memref<!tpu.dma_semaphore, #tpu.memory_space<semaphore_mem>>
      %dma_start3A = arith.constant 0 : i32
      %dma_start3A_48 = tpu.memref_slice %arg9[%mul3A_32, %dma_start3A] : memref<10240x128xf32, #tpu.memory_space<vmem_shared>> -> memref<640x128xf32, #tpu.memory_space<vmem_shared>>
      %dma_start3A_49 = arith.constant 0 : i32
      %dma_start3A_50 = tpu.memref_slice %arg2[%add3A_30, %dma_start3A_49] : memref<40960x128xf32, #tpu.memory_space<hbm>> -> memref<640x128xf32, #tpu.memory_space<hbm>>
      tpu.enqueue_dma source(%dma_start3A_50 : memref<640x128xf32, #tpu.memory_space<hbm>>) target(%dma_start3A_48 : memref<640x128xf32, #tpu.memory_space<vmem_shared>>) target_semaphore(%run_scoped3A : memref<!tpu.dma_semaphore, #tpu.memory_space<semaphore_mem>>)
      %dma_wait3A = arith.constant 0 : i32
      %dma_wait3A_51 = tpu.memref_slice %arg9[%mul3A_32, %dma_wait3A] : memref<10240x128xf32, #tpu.memory_space<vmem_shared>> -> memref<640x128xf32, #tpu.memory_space<vmem_shared>>
      %dma_wait3A_52 = arith.constant 0 : i32
      %dma_wait3A_53 = tpu.memref_slice %arg2[%add3A_30, %dma_wait3A_52] : memref<40960x128xf32, #tpu.memory_space<hbm>> -> memref<640x128xf32, #tpu.memory_space<hbm>>
      tpu.wait_dma2 semaphore(%run_scoped3A : memref<!tpu.dma_semaphore, #tpu.memory_space<semaphore_mem>>) src(%dma_wait3A_53 : memref<640x128xf32, #tpu.memory_space<hbm>>) dst(%dma_wait3A_51 : memref<640x128xf32, #tpu.memory_space<vmem_shared>>)
      tpu.yield
    }) : () -> ()
    "tpu.region"() ({
      %run_scoped3A = tpu.sem_alloc : memref<!tpu.dma_semaphore, #tpu.memory_space<semaphore_mem>>
      %dma_start3A = arith.constant 0 : i32
      %dma_start3A_48 = arith.constant 0 : i32
      %dma_start3A_49 = tpu.memref_slice %arg3[%add3A_25, %arg1, %dma_start3A, %dma_start3A_48] : memref<4x16x79x128xi32, #tpu.memory_space<hbm>> -> memref<1x1x79x128xi32, #tpu.memory_space<hbm>>
      %dma_start3A_50 = tpu.memref_squeeze %dma_start3A_49 : memref<1x1x79x128xi32, #tpu.memory_space<hbm>> -> memref<79x128xi32, #tpu.memory_space<hbm>>
      %dma_start3A_51 = arith.constant 0 : i32
      %dma_start3A_52 = arith.constant 0 : i32
      %dma_start3A_53 = tpu.memref_slice %arg3[%add3A_25, %arg1, %dma_start3A_51, %dma_start3A_52] : memref<4x16x79x128xi32, #tpu.memory_space<hbm>> -> memref<1x1x79x128xi32, #tpu.memory_space<hbm>>
      %dma_start3A_54 = tpu.memref_squeeze %dma_start3A_53 : memref<1x1x79x128xi32, #tpu.memory_space<hbm>> -> memref<79x128xi32, #tpu.memory_space<hbm>>
      tpu.enqueue_dma source(%dma_start3A_54 : memref<79x128xi32, #tpu.memory_space<hbm>>) target(%arg6 : memref<79x128xi32, #tpu.memory_space<vmem>>) target_semaphore(%run_scoped3A : memref<!tpu.dma_semaphore, #tpu.memory_space<semaphore_mem>>)
      %dma_wait3A = arith.constant 0 : i32
      %dma_wait3A_55 = arith.constant 0 : i32
      %dma_wait3A_56 = tpu.memref_slice %arg3[%add3A_25, %arg1, %dma_wait3A, %dma_wait3A_55] : memref<4x16x79x128xi32, #tpu.memory_space<hbm>> -> memref<1x1x79x128xi32, #tpu.memory_space<hbm>>
      %dma_wait3A_57 = tpu.memref_squeeze %dma_wait3A_56 : memref<1x1x79x128xi32, #tpu.memory_space<hbm>> -> memref<79x128xi32, #tpu.memory_space<hbm>>
      %dma_wait3A_58 = arith.constant 0 : i32
      %dma_wait3A_59 = arith.constant 0 : i32
      %dma_wait3A_60 = tpu.memref_slice %arg3[%add3A_25, %arg1, %dma_wait3A_58, %dma_wait3A_59] : memref<4x16x79x128xi32, #tpu.memory_space<hbm>> -> memref<1x1x79x128xi32, #tpu.memory_space<hbm>>
      %dma_wait3A_61 = tpu.memref_squeeze %dma_wait3A_60 : memref<1x1x79x128xi32, #tpu.memory_space<hbm>> -> memref<79x128xi32, #tpu.memory_space<hbm>>
      tpu.wait_dma2 semaphore(%run_scoped3A : memref<!tpu.dma_semaphore, #tpu.memory_space<semaphore_mem>>) src(%dma_wait3A_61 : memref<79x128xi32, #tpu.memory_space<hbm>>) dst(%arg6 : memref<79x128xi32, #tpu.memory_space<vmem>>)
      tpu.yield
    }) : () -> ()
    %barrier3A_33 = arith.constant 0 : index
    tpu.barrier barrier_id(%barrier3A_33)
    %delay3A_34 = arith.constant 500 : i32
    tpu.delay %delay3A_34
    %barrier3A_35 = arith.constant 0 : index
    tpu.barrier barrier_id(%barrier3A_35)
    %scan3A_36 = arith.constant 0 : i32
    %scan3A_37 = arith.constant 79 : i32
    %scan3A_38 = arith.addi %scan3A_36, %scan3A_37 : i32
    %scan3A_39 = arith.constant 1 : i32
    scf.for %scan3A_48 = %scan3A_36 to %scan3A_38 step %scan3A_39  : i32 {
      %mul3A_49 = arith.constant 1 : i32
      %mul3A_50 = arith.muli %scan3A_48, %mul3A_49 : i32
      %add3A_51 = arith.constant 0 : i32
      %add3A_52 = arith.addi %add3A_51, %mul3A_50 : i32
      "tpu.region"() ({
        %run_scoped3A = tpu.sem_alloc : memref<!tpu.dma_semaphore, #tpu.memory_space<semaphore_mem>>
        %dma_start3A = arith.constant 0 : i32
        %dma_start3A_53 = tpu.memref_slice %arg6[%add3A_52, %dma_start3A] : memref<79x128xi32, #tpu.memory_space<vmem>> -> memref<1x128xi32, #tpu.memory_space<vmem>>
        %dma_start3A_54 = tpu.memref_squeeze %dma_start3A_53 : memref<1x128xi32, #tpu.memory_space<vmem>> -> memref<128xi32, #tpu.memory_space<vmem>>
        %dma_start3A_55 = arith.constant 0 : i32
        %dma_start3A_56 = arith.constant 0 : i32
        %dma_start3A_57 = tpu.memref_slice %arg2[%dma_start3A_55, %dma_start3A_56] : memref<40960x128xf32, #tpu.memory_space<hbm>> -> memref<40960x128xf32, #tpu.memory_space<hbm>>
        tpu.enqueue_indirect_dma source(%dma_start3A_57 : memref<40960x128xf32, #tpu.memory_space<hbm>>) target(%arg8 : memref<128x128xf32, #tpu.memory_space<vmem>>) offsets(%dma_start3A_54 : memref<128xi32, #tpu.memory_space<vmem>>) semaphore(%run_scoped3A : memref<!tpu.dma_semaphore, #tpu.memory_space<semaphore_mem>>)
        %dma_wait3A = arith.constant 0 : i32
        %dma_wait3A_58 = tpu.memref_slice %arg6[%add3A_52, %dma_wait3A] : memref<79x128xi32, #tpu.memory_space<vmem>> -> memref<1x128xi32, #tpu.memory_space<vmem>>
        %dma_wait3A_59 = tpu.memref_squeeze %dma_wait3A_58 : memref<1x128xi32, #tpu.memory_space<vmem>> -> memref<128xi32, #tpu.memory_space<vmem>>
        %dma_wait3A_60 = arith.constant 0 : i32
        %dma_wait3A_61 = arith.constant 0 : i32
        %dma_wait3A_62 = tpu.memref_slice %arg2[%dma_wait3A_60, %dma_wait3A_61] : memref<40960x128xf32, #tpu.memory_space<hbm>> -> memref<40960x128xf32, #tpu.memory_space<hbm>>
        tpu.wait_indirect_dma semaphore(%run_scoped3A : memref<!tpu.dma_semaphore, #tpu.memory_space<semaphore_mem>>) src(%dma_wait3A_62 : memref<40960x128xf32, #tpu.memory_space<hbm>>) dst(%arg8 : memref<128x128xf32, #tpu.memory_space<vmem>>)
        tpu.yield
      }) : () -> ()
      "tpu.region"() ({
        %run_scoped3A = tpu.sem_alloc : memref<!tpu.dma_semaphore, #tpu.memory_space<semaphore_mem>>
        %dma_start3A = arith.constant 0 : i32
        %dma_start3A_53 = tpu.memref_slice %arg7[%add3A_52, %dma_start3A] : memref<79x128xi32, #tpu.memory_space<vmem>> -> memref<1x128xi32, #tpu.memory_space<vmem>>
        %dma_start3A_54 = tpu.memref_squeeze %dma_start3A_53 : memref<1x128xi32, #tpu.memory_space<vmem>> -> memref<128xi32, #tpu.memory_space<vmem>>
        %dma_start3A_55 = arith.constant 0 : i32
        %dma_start3A_56 = arith.constant 0 : i32
        %dma_start3A_57 = tpu.memref_slice %arg9[%dma_start3A_55, %dma_start3A_56] : memref<10240x128xf32, #tpu.memory_space<vmem_shared>> -> memref<10240x128xf32, #tpu.memory_space<vmem_shared>>
        tpu.enqueue_indirect_dma source(%arg8 : memref<128x128xf32, #tpu.memory_space<vmem>>) target(%dma_start3A_57 : memref<10240x128xf32, #tpu.memory_space<vmem_shared>>) offsets(%dma_start3A_54 : memref<128xi32, #tpu.memory_space<vmem>>) semaphore(%run_scoped3A : memref<!tpu.dma_semaphore, #tpu.memory_space<semaphore_mem>>) {add = true}
        %dma_wait3A = arith.constant 0 : i32
        %dma_wait3A_58 = tpu.memref_slice %arg7[%add3A_52, %dma_wait3A] : memref<79x128xi32, #tpu.memory_space<vmem>> -> memref<1x128xi32, #tpu.memory_space<vmem>>
        %dma_wait3A_59 = tpu.memref_squeeze %dma_wait3A_58 : memref<1x128xi32, #tpu.memory_space<vmem>> -> memref<128xi32, #tpu.memory_space<vmem>>
        %dma_wait3A_60 = arith.constant 0 : i32
        %dma_wait3A_61 = arith.constant 0 : i32
        %dma_wait3A_62 = tpu.memref_slice %arg9[%dma_wait3A_60, %dma_wait3A_61] : memref<10240x128xf32, #tpu.memory_space<vmem_shared>> -> memref<10240x128xf32, #tpu.memory_space<vmem_shared>>
        tpu.wait_indirect_dma semaphore(%run_scoped3A : memref<!tpu.dma_semaphore, #tpu.memory_space<semaphore_mem>>) src(%arg8 : memref<128x128xf32, #tpu.memory_space<vmem>>) dst(%dma_wait3A_62 : memref<10240x128xf32, #tpu.memory_space<vmem_shared>>)
        tpu.yield
      }) : () -> ()
    }
    %scan3A_40 = arith.constant 79 : i32
    %barrier3A_41 = arith.constant 0 : index
    tpu.barrier barrier_id(%barrier3A_41)
    %delay3A_42 = arith.constant 500 : i32
    tpu.delay %delay3A_42
    %barrier3A_43 = arith.constant 0 : index
    tpu.barrier barrier_id(%barrier3A_43)
    %mul3A_44 = arith.constant 640 : i32
    %mul3A_45 = arith.muli %arg1, %mul3A_44 : i32
    %mul3A_46 = arith.constant 640 : i32
    %mul3A_47 = arith.muli %arg1, %mul3A_46 : i32
    "tpu.region"() ({
      %run_scoped3A = tpu.sem_alloc : memref<!tpu.dma_semaphore, #tpu.memory_space<semaphore_mem>>
      %dma_start3A = arith.constant 0 : i32
      %dma_start3A_48 = tpu.memref_slice %arg5[%add3A_25, %mul3A_47, %dma_start3A] : memref<4x10240x128xf32, #tpu.memory_space<hbm>> -> memref<1x640x128xf32, #tpu.memory_space<hbm>>
      %dma_start3A_49 = tpu.memref_squeeze %dma_start3A_48 : memref<1x640x128xf32, #tpu.memory_space<hbm>> -> memref<640x128xf32, #tpu.memory_space<hbm>>
      %dma_start3A_50 = arith.constant 0 : i32
      %dma_start3A_51 = tpu.memref_slice %arg9[%mul3A_45, %dma_start3A_50] : memref<10240x128xf32, #tpu.memory_space<vmem_shared>> -> memref<640x128xf32, #tpu.memory_space<vmem_shared>>
      tpu.enqueue_dma source(%dma_start3A_51 : memref<640x128xf32, #tpu.memory_space<vmem_shared>>) target(%dma_start3A_49 : memref<640x128xf32, #tpu.memory_space<hbm>>) target_semaphore(%run_scoped3A : memref<!tpu.dma_semaphore, #tpu.memory_space<semaphore_mem>>)
      %dma_wait3A = arith.constant 0 : i32
      %dma_wait3A_52 = tpu.memref_slice %arg5[%add3A_25, %mul3A_47, %dma_wait3A] : memref<4x10240x128xf32, #tpu.memory_space<hbm>> -> memref<1x640x128xf32, #tpu.memory_space<hbm>>
      %dma_wait3A_53 = tpu.memref_squeeze %dma_wait3A_52 : memref<1x640x128xf32, #tpu.memory_space<hbm>> -> memref<640x128xf32, #tpu.memory_space<hbm>>
      %dma_wait3A_54 = arith.constant 0 : i32
      %dma_wait3A_55 = tpu.memref_slice %arg9[%mul3A_45, %dma_wait3A_54] : memref<10240x128xf32, #tpu.memory_space<vmem_shared>> -> memref<640x128xf32, #tpu.memory_space<vmem_shared>>
      tpu.wait_dma2 semaphore(%run_scoped3A : memref<!tpu.dma_semaphore, #tpu.memory_space<semaphore_mem>>) src(%dma_wait3A_55 : memref<640x128xf32, #tpu.memory_space<vmem_shared>>) dst(%dma_wait3A_53 : memref<640x128xf32, #tpu.memory_space<hbm>>)
      tpu.yield
    }) : () -> ()
    return
  }
}

module attributes {stable_mosaic.version = 14 : i64} {
  func.func @_dinv_body(%arg0: memref<2x10240xf32, #tpu.memory_space<vmem>>, %arg1: memref<10240x1xf32, #tpu.memory_space<vmem>>) attributes {dimension_semantics = [], scalar_prefetch = 0 : i64, scratch_operands = 0 : i64, tpu.core_type = #tpu.core_type<tc>} {
    %get3A = arith.constant 0 : index
    %get3A_0 = arith.constant 0 : index
    %get3A_1 = vector.load %arg0[%get3A, %get3A_0] : memref<2x10240xf32, #tpu.memory_space<vmem>>, vector<1x10240xf32>
    %get3A_2 = vector.shape_cast %get3A_1 : vector<1x10240xf32> to vector<10240xf32>
    %get3A_3 = arith.constant 1 : index
    %get3A_4 = arith.constant 0 : index
    %get3A_5 = vector.load %arg0[%get3A_3, %get3A_4] : memref<2x10240xf32, #tpu.memory_space<vmem>>, vector<1x10240xf32>
    %get3A_6 = vector.shape_cast %get3A_5 : vector<1x10240xf32> to vector<10240xf32>
    %add3A = arith.addf %get3A_2, %get3A_6 : vector<10240xf32>
    %add3A_7 = arith.constant 1.000000e+00 : f32
    %add3A_8 = vector.broadcast %add3A_7 : f32 to vector<10240xf32>
    %add3A_9 = arith.addf %add3A, %add3A_8 : vector<10240xf32>
    %rsqrt3A = math.rsqrt %add3A_9 : vector<10240xf32>
    %broadcast_in_dim3A = vector.shape_cast %rsqrt3A : vector<10240xf32> to vector<10240x1xf32>
    %swap3A = arith.constant 0 : index
    %swap3A_10 = arith.constant 0 : index
    %swap3A_11 = vector.load %arg1[%swap3A, %swap3A_10] : memref<10240x1xf32, #tpu.memory_space<vmem>>, vector<10240x1xf32>
    tpu.vector_store %arg1[%swap3A, %swap3A_10], %broadcast_in_dim3A {strides = array<i32>} : memref<10240x1xf32, #tpu.memory_space<vmem>>, vector<10240x1xf32>,
    return
  }
}

module attributes {stable_mosaic.version = 14 : i64} {
  func.func @body(%arg0: i32, %arg1: i32, %arg2: memref<400x256xbf16, #tpu.memory_space<vmem>>, %arg3: memref<256x128xbf16, #tpu.memory_space<vmem>>, %arg4: memref<400x1xf32, #tpu.memory_space<vmem>>, %arg5: memref<1x400x128xf32, #tpu.memory_space<vmem>>) attributes {dimension_semantics = [#tpu.dimension_semantics<parallel>, #tpu.dimension_semantics<parallel>], iteration_bounds = array<i64: 25, 4>, scalar_prefetch = 0 : i64, scratch_operands = 0 : i64, tpu.core_type = #tpu.core_type<tc>, window_params = [{transform_indices = @transform_0, window_bounds = array<i64: 400, 256>}, {transform_indices = @transform_1, window_bounds = array<i64: 256, 128>}, {transform_indices = @transform_2, window_bounds = array<i64: 400, 1>}, {transform_indices = @transform_3, window_bounds = array<i64: 1, 400, 128>}]} {
    %get3A = arith.constant 0 : index
    %get3A_0 = arith.constant 0 : index
    %get3A_1 = vector.load %arg2[%get3A, %get3A_0] : memref<400x256xbf16, #tpu.memory_space<vmem>>, vector<400x256xbf16>
    %get3A_2 = arith.constant 0 : index
    %get3A_3 = arith.constant 0 : index
    %get3A_4 = vector.load %arg3[%get3A_2, %get3A_3] : memref<256x128xbf16, #tpu.memory_space<vmem>>, vector<256x128xbf16>
    %dot_general3A = arith.constant dense<0.000000e+00> : vector<400x128xf32>
    %dot_general3A_5 = tpu.matmul %get3A_1, %get3A_4, %dot_general3A {dimension_numbers = #tpu.dot_dimension_numbers<[1], [0], [0], [1], [0, 0, 1, 1], [], []>, transpose_lhs_hint = false} : vector<400x256xbf16>, vector<256x128xbf16>, vector<400x128xf32> -> vector<400x128xf32>
    %get3A_6 = arith.constant 0 : index
    %get3A_7 = arith.constant 0 : index
    %get3A_8 = vector.load %arg4[%get3A_6, %get3A_7] : memref<400x1xf32, #tpu.memory_space<vmem>>, vector<400x1xf32>
    %mul3A = vector.broadcast %get3A_8 : vector<400x1xf32> to vector<400x128xf32>
    %mul3A_9 = arith.mulf %dot_general3A_5, %mul3A : vector<400x128xf32>
    %swap3A = arith.constant 0 : index
    %swap3A_10 = arith.constant 0 : index
    %swap3A_11 = arith.constant 0 : index
    %swap3A_12 = vector.load %arg5[%swap3A, %swap3A_10, %swap3A_11] : memref<1x400x128xf32, #tpu.memory_space<vmem>>, vector<1x400x128xf32>
    %swap3A_13 = vector.shape_cast %swap3A_12 : vector<1x400x128xf32> to vector<400x128xf32>
    %swap3A_14 = vector.shape_cast %mul3A_9 : vector<400x128xf32> to vector<1x400x128xf32>
    tpu.vector_store %arg5[%swap3A, %swap3A_10, %swap3A_11], %swap3A_14 {strides = array<i32>} : memref<1x400x128xf32, #tpu.memory_space<vmem>>, vector<1x400x128xf32>,
    return
  }
  func.func @transform_0(%arg0: i32, %arg1: i32) -> (i32, i32) {
    %c0_i32 = arith.constant 0 : i32
    %c0_i32_0 = arith.constant 0 : i32
    return %arg0, %c0_i32 : i32, i32
  }
  func.func @transform_1(%arg0: i32, %arg1: i32) -> (i32, i32) {
    %c0_i32 = arith.constant 0 : i32
    %c0_i32_0 = arith.constant 0 : i32
    return %c0_i32, %arg1 : i32, i32
  }
  func.func @transform_2(%arg0: i32, %arg1: i32) -> (i32, i32) {
    %c0_i32 = arith.constant 0 : i32
    %c0_i32_0 = arith.constant 0 : i32
    return %arg0, %c0_i32 : i32, i32
  }
  func.func @transform_3(%arg0: i32, %arg1: i32) -> (i32, i32, i32) {
    %c0_i32 = arith.constant 0 : i32
    %c0_i32_0 = arith.constant 0 : i32
    return %arg1, %arg0, %c0_i32 : i32, i32, i32
  }
}

module attributes {stable_mosaic.version = 14 : i64} {
  func.func @body(%arg0: i32, %arg1: i32, %arg2: memref<4x400x128xf32, #tpu.memory_space<vmem>>, %arg3: memref<4x1x128xf32, #tpu.memory_space<vmem>>, %arg4: memref<4x1x128xf32, #tpu.memory_space<vmem>>, %arg5: memref<512x128xbf16, #tpu.memory_space<vmem>>, %arg6: memref<400x1xf32, #tpu.memory_space<vmem>>, %arg7: memref<1x400x128xf32, #tpu.memory_space<vmem>>) attributes {dimension_semantics = [#tpu.dimension_semantics<parallel>, #tpu.dimension_semantics<parallel>], iteration_bounds = array<i64: 25, 4>, scalar_prefetch = 0 : i64, scratch_operands = 0 : i64, tpu.core_type = #tpu.core_type<tc>, window_params = [{transform_indices = @transform_0, window_bounds = array<i64: 4, 400, 128>}, {pipeline_mode = #tpu.pipeline_mode<synchronous>, transform_indices = @transform_1, window_bounds = array<i64: 4, 1, 128>}, {pipeline_mode = #tpu.pipeline_mode<synchronous>, transform_indices = @transform_2, window_bounds = array<i64: 4, 1, 128>}, {transform_indices = @transform_3, window_bounds = array<i64: 512, 128>}, {transform_indices = @transform_4, window_bounds = array<i64: 400, 1>}, {transform_indices = @transform_5, window_bounds = array<i64: 1, 400, 128>}]} {
    %get3A = arith.constant 0 : index
    %get3A_0 = arith.constant 0 : index
    %get3A_1 = arith.constant 0 : index
    %get3A_2 = vector.load %arg2[%get3A, %get3A_0, %get3A_1] : memref<4x400x128xf32, #tpu.memory_space<vmem>>, vector<1x400x128xf32>
    %get3A_3 = vector.shape_cast %get3A_2 : vector<1x400x128xf32> to vector<400x128xf32>
    %get3A_4 = arith.constant 0 : index
    %get3A_5 = arith.constant 0 : index
    %get3A_6 = vector.load %arg6[%get3A_4, %get3A_5] : memref<400x1xf32, #tpu.memory_space<vmem>>, vector<400x1xf32>
    %mul3A = vector.broadcast %get3A_6 : vector<400x1xf32> to vector<400x128xf32>
    %mul3A_7 = arith.mulf %get3A_3, %mul3A : vector<400x128xf32>
    %get3A_8 = arith.constant 0 : index
    %get3A_9 = arith.constant 0 : index
    %get3A_10 = arith.constant 0 : index
    %get3A_11 = vector.load %arg3[%get3A_8, %get3A_9, %get3A_10] : memref<4x1x128xf32, #tpu.memory_space<vmem>>, vector<1x1x128xf32>
    %get3A_12 = vector.shape_cast %get3A_11 : vector<1x1x128xf32> to vector<1x128xf32>
    %mul3A_13 = vector.broadcast %get3A_12 : vector<1x128xf32> to vector<400x128xf32>
    %mul3A_14 = arith.mulf %mul3A_7, %mul3A_13 : vector<400x128xf32>
    %get3A_15 = arith.constant 0 : index
    %get3A_16 = arith.constant 0 : index
    %get3A_17 = arith.constant 0 : index
    %get3A_18 = vector.load %arg4[%get3A_15, %get3A_16, %get3A_17] : memref<4x1x128xf32, #tpu.memory_space<vmem>>, vector<1x1x128xf32>
    %get3A_19 = vector.shape_cast %get3A_18 : vector<1x1x128xf32> to vector<1x128xf32>
    %add3A = vector.broadcast %get3A_19 : vector<1x128xf32> to vector<400x128xf32>
    %add3A_20 = arith.addf %mul3A_14, %add3A : vector<400x128xf32>
    %max3A = arith.constant 0.000000e+00 : f32
    %max3A_21 = vector.broadcast %max3A : f32 to vector<400x128xf32>
    %max3A_22 = arith.maximumf %add3A_20, %max3A_21 : vector<400x128xf32>
    %convert_element_type3A = arith.truncf %max3A_22 : vector<400x128xf32> to vector<400x128xbf16>
    %get3A_23 = arith.constant 0 : index
    %get3A_24 = arith.constant 0 : index
    %get3A_25 = vector.load %arg5[%get3A_23, %get3A_24] : memref<512x128xbf16, #tpu.memory_space<vmem>>, vector<128x128xbf16>
    %dot_general3A = arith.constant dense<0.000000e+00> : vector<400x128xf32>
    %dot_general3A_26 = tpu.matmul %convert_element_type3A, %get3A_25, %dot_general3A {dimension_numbers = #tpu.dot_dimension_numbers<[1], [0], [0], [1], [0, 0, 1, 1], [], []>, transpose_lhs_hint = false} : vector<400x128xbf16>, vector<128x128xbf16>, vector<400x128xf32> -> vector<400x128xf32>
    %get3A_27 = arith.constant 1 : index
    %get3A_28 = arith.constant 0 : index
    %get3A_29 = arith.constant 0 : index
    %get3A_30 = vector.load %arg2[%get3A_27, %get3A_28, %get3A_29] : memref<4x400x128xf32, #tpu.memory_space<vmem>>, vector<1x400x128xf32>
    %get3A_31 = vector.shape_cast %get3A_30 : vector<1x400x128xf32> to vector<400x128xf32>
    %get3A_32 = arith.constant 0 : index
    %get3A_33 = arith.constant 0 : index
    %get3A_34 = vector.load %arg6[%get3A_32, %get3A_33] : memref<400x1xf32, #tpu.memory_space<vmem>>, vector<400x1xf32>
    %mul3A_35 = vector.broadcast %get3A_34 : vector<400x1xf32> to vector<400x128xf32>
    %mul3A_36 = arith.mulf %get3A_31, %mul3A_35 : vector<400x128xf32>
    %get3A_37 = arith.constant 1 : index
    %get3A_38 = arith.constant 0 : index
    %get3A_39 = arith.constant 0 : index
    %get3A_40 = vector.load %arg3[%get3A_37, %get3A_38, %get3A_39] : memref<4x1x128xf32, #tpu.memory_space<vmem>>, vector<1x1x128xf32>
    %get3A_41 = vector.shape_cast %get3A_40 : vector<1x1x128xf32> to vector<1x128xf32>
    %mul3A_42 = vector.broadcast %get3A_41 : vector<1x128xf32> to vector<400x128xf32>
    %mul3A_43 = arith.mulf %mul3A_36, %mul3A_42 : vector<400x128xf32>
    %get3A_44 = arith.constant 1 : index
    %get3A_45 = arith.constant 0 : index
    %get3A_46 = arith.constant 0 : index
    %get3A_47 = vector.load %arg4[%get3A_44, %get3A_45, %get3A_46] : memref<4x1x128xf32, #tpu.memory_space<vmem>>, vector<1x1x128xf32>
    %get3A_48 = vector.shape_cast %get3A_47 : vector<1x1x128xf32> to vector<1x128xf32>
    %add3A_49 = vector.broadcast %get3A_48 : vector<1x128xf32> to vector<400x128xf32>
    %add3A_50 = arith.addf %mul3A_43, %add3A_49 : vector<400x128xf32>
    %max3A_51 = arith.constant 0.000000e+00 : f32
    %max3A_52 = vector.broadcast %max3A_51 : f32 to vector<400x128xf32>
    %max3A_53 = arith.maximumf %add3A_50, %max3A_52 : vector<400x128xf32>
    %convert_element_type3A_54 = arith.truncf %max3A_53 : vector<400x128xf32> to vector<400x128xbf16>
    %get3A_55 = arith.constant 128 : index
    %get3A_56 = arith.constant 0 : index
    %get3A_57 = vector.load %arg5[%get3A_55, %get3A_56] : memref<512x128xbf16, #tpu.memory_space<vmem>>, vector<128x128xbf16>
    %dot_general3A_58 = arith.constant dense<0.000000e+00> : vector<400x128xf32>
    %dot_general3A_59 = tpu.matmul %convert_element_type3A_54, %get3A_57, %dot_general3A_58 {dimension_numbers = #tpu.dot_dimension_numbers<[1], [0], [0], [1], [0, 0, 1, 1], [], []>, transpose_lhs_hint = false} : vector<400x128xbf16>, vector<128x128xbf16>, vector<400x128xf32> -> vector<400x128xf32>
    %add3A_60 = arith.addf %dot_general3A_26, %dot_general3A_59 : vector<400x128xf32>
    %get3A_61 = arith.constant 2 : index
    %get3A_62 = arith.constant 0 : index
    %get3A_63 = arith.constant 0 : index
    %get3A_64 = vector.load %arg2[%get3A_61, %get3A_62, %get3A_63] : memref<4x400x128xf32, #tpu.memory_space<vmem>>, vector<1x400x128xf32>
    %get3A_65 = vector.shape_cast %get3A_64 : vector<1x400x128xf32> to vector<400x128xf32>
    %get3A_66 = arith.constant 0 : index
    %get3A_67 = arith.constant 0 : index
    %get3A_68 = vector.load %arg6[%get3A_66, %get3A_67] : memref<400x1xf32, #tpu.memory_space<vmem>>, vector<400x1xf32>
    %mul3A_69 = vector.broadcast %get3A_68 : vector<400x1xf32> to vector<400x128xf32>
    %mul3A_70 = arith.mulf %get3A_65, %mul3A_69 : vector<400x128xf32>
    %get3A_71 = arith.constant 2 : index
    %get3A_72 = arith.constant 0 : index
    %get3A_73 = arith.constant 0 : index
    %get3A_74 = vector.load %arg3[%get3A_71, %get3A_72, %get3A_73] : memref<4x1x128xf32, #tpu.memory_space<vmem>>, vector<1x1x128xf32>
    %get3A_75 = vector.shape_cast %get3A_74 : vector<1x1x128xf32> to vector<1x128xf32>
    %mul3A_76 = vector.broadcast %get3A_75 : vector<1x128xf32> to vector<400x128xf32>
    %mul3A_77 = arith.mulf %mul3A_70, %mul3A_76 : vector<400x128xf32>
    %get3A_78 = arith.constant 2 : index
    %get3A_79 = arith.constant 0 : index
    %get3A_80 = arith.constant 0 : index
    %get3A_81 = vector.load %arg4[%get3A_78, %get3A_79, %get3A_80] : memref<4x1x128xf32, #tpu.memory_space<vmem>>, vector<1x1x128xf32>
    %get3A_82 = vector.shape_cast %get3A_81 : vector<1x1x128xf32> to vector<1x128xf32>
    %add3A_83 = vector.broadcast %get3A_82 : vector<1x128xf32> to vector<400x128xf32>
    %add3A_84 = arith.addf %mul3A_77, %add3A_83 : vector<400x128xf32>
    %max3A_85 = arith.constant 0.000000e+00 : f32
    %max3A_86 = vector.broadcast %max3A_85 : f32 to vector<400x128xf32>
    %max3A_87 = arith.maximumf %add3A_84, %max3A_86 : vector<400x128xf32>
    %convert_element_type3A_88 = arith.truncf %max3A_87 : vector<400x128xf32> to vector<400x128xbf16>
    %get3A_89 = arith.constant 256 : index
    %get3A_90 = arith.constant 0 : index
    %get3A_91 = vector.load %arg5[%get3A_89, %get3A_90] : memref<512x128xbf16, #tpu.memory_space<vmem>>, vector<128x128xbf16>
    %dot_general3A_92 = arith.constant dense<0.000000e+00> : vector<400x128xf32>
    %dot_general3A_93 = tpu.matmul %convert_element_type3A_88, %get3A_91, %dot_general3A_92 {dimension_numbers = #tpu.dot_dimension_numbers<[1], [0], [0], [1], [0, 0, 1, 1], [], []>, transpose_lhs_hint = false} : vector<400x128xbf16>, vector<128x128xbf16>, vector<400x128xf32> -> vector<400x128xf32>
    %add3A_94 = arith.addf %add3A_60, %dot_general3A_93 : vector<400x128xf32>
    %get3A_95 = arith.constant 3 : index
    %get3A_96 = arith.constant 0 : index
    %get3A_97 = arith.constant 0 : index
    %get3A_98 = vector.load %arg2[%get3A_95, %get3A_96, %get3A_97] : memref<4x400x128xf32, #tpu.memory_space<vmem>>, vector<1x400x128xf32>
    %get3A_99 = vector.shape_cast %get3A_98 : vector<1x400x128xf32> to vector<400x128xf32>
    %get3A_100 = arith.constant 0 : index
    %get3A_101 = arith.constant 0 : index
    %get3A_102 = vector.load %arg6[%get3A_100, %get3A_101] : memref<400x1xf32, #tpu.memory_space<vmem>>, vector<400x1xf32>
    %mul3A_103 = vector.broadcast %get3A_102 : vector<400x1xf32> to vector<400x128xf32>
    %mul3A_104 = arith.mulf %get3A_99, %mul3A_103 : vector<400x128xf32>
    %get3A_105 = arith.constant 3 : index
    %get3A_106 = arith.constant 0 : index
    %get3A_107 = arith.constant 0 : index
    %get3A_108 = vector.load %arg3[%get3A_105, %get3A_106, %get3A_107] : memref<4x1x128xf32, #tpu.memory_space<vmem>>, vector<1x1x128xf32>
    %get3A_109 = vector.shape_cast %get3A_108 : vector<1x1x128xf32> to vector<1x128xf32>
    %mul3A_110 = vector.broadcast %get3A_109 : vector<1x128xf32> to vector<400x128xf32>
    %mul3A_111 = arith.mulf %mul3A_104, %mul3A_110 : vector<400x128xf32>
    %get3A_112 = arith.constant 3 : index
    %get3A_113 = arith.constant 0 : index
    %get3A_114 = arith.constant 0 : index
    %get3A_115 = vector.load %arg4[%get3A_112, %get3A_113, %get3A_114] : memref<4x1x128xf32, #tpu.memory_space<vmem>>, vector<1x1x128xf32>
    %get3A_116 = vector.shape_cast %get3A_115 : vector<1x1x128xf32> to vector<1x128xf32>
    %add3A_117 = vector.broadcast %get3A_116 : vector<1x128xf32> to vector<400x128xf32>
    %add3A_118 = arith.addf %mul3A_111, %add3A_117 : vector<400x128xf32>
    %max3A_119 = arith.constant 0.000000e+00 : f32
    %max3A_120 = vector.broadcast %max3A_119 : f32 to vector<400x128xf32>
    %max3A_121 = arith.maximumf %add3A_118, %max3A_120 : vector<400x128xf32>
    %convert_element_type3A_122 = arith.truncf %max3A_121 : vector<400x128xf32> to vector<400x128xbf16>
    %get3A_123 = arith.constant 384 : index
    %get3A_124 = arith.constant 0 : index
    %get3A_125 = vector.load %arg5[%get3A_123, %get3A_124] : memref<512x128xbf16, #tpu.memory_space<vmem>>, vector<128x128xbf16>
    %dot_general3A_126 = arith.constant dense<0.000000e+00> : vector<400x128xf32>
    %dot_general3A_127 = tpu.matmul %convert_element_type3A_122, %get3A_125, %dot_general3A_126 {dimension_numbers = #tpu.dot_dimension_numbers<[1], [0], [0], [1], [0, 0, 1, 1], [], []>, transpose_lhs_hint = false} : vector<400x128xbf16>, vector<128x128xbf16>, vector<400x128xf32> -> vector<400x128xf32>
    %add3A_128 = arith.addf %add3A_94, %dot_general3A_127 : vector<400x128xf32>
    %get3A_129 = arith.constant 0 : index
    %get3A_130 = arith.constant 0 : index
    %get3A_131 = vector.load %arg6[%get3A_129, %get3A_130] : memref<400x1xf32, #tpu.memory_space<vmem>>, vector<400x1xf32>
    %mul3A_132 = vector.broadcast %get3A_131 : vector<400x1xf32> to vector<400x128xf32>
    %mul3A_133 = arith.mulf %add3A_128, %mul3A_132 : vector<400x128xf32>
    %swap3A = arith.constant 0 : index
    %swap3A_134 = arith.constant 0 : index
    %swap3A_135 = arith.constant 0 : index
    %swap3A_136 = vector.load %arg7[%swap3A, %swap3A_134, %swap3A_135] : memref<1x400x128xf32, #tpu.memory_space<vmem>>, vector<1x400x128xf32>
    %swap3A_137 = vector.shape_cast %swap3A_136 : vector<1x400x128xf32> to vector<400x128xf32>
    %swap3A_138 = vector.shape_cast %mul3A_133 : vector<400x128xf32> to vector<1x400x128xf32>
    tpu.vector_store %arg7[%swap3A, %swap3A_134, %swap3A_135], %swap3A_138 {strides = array<i32>} : memref<1x400x128xf32, #tpu.memory_space<vmem>>, vector<1x400x128xf32>,
    return
  }
  func.func @transform_0(%arg0: i32, %arg1: i32) -> (i32, i32, i32) {
    %c0_i32 = arith.constant 0 : i32
    %c0_i32_0 = arith.constant 0 : i32
    %c0_i32_1 = arith.constant 0 : i32
    return %c0_i32, %arg0, %c0_i32_0 : i32, i32, i32
  }
  func.func @transform_1(%arg0: i32, %arg1: i32) -> (i32, i32, i32) {
    %c0_i32 = arith.constant 0 : i32
    %c0_i32_0 = arith.constant 0 : i32
    %c0_i32_1 = arith.constant 0 : i32
    %c0_i32_2 = arith.constant 0 : i32
    return %c0_i32, %c0_i32_0, %c0_i32_1 : i32, i32, i32
  }
  func.func @transform_2(%arg0: i32, %arg1: i32) -> (i32, i32, i32) {
    %c0_i32 = arith.constant 0 : i32
    %c0_i32_0 = arith.constant 0 : i32
    %c0_i32_1 = arith.constant 0 : i32
    %c0_i32_2 = arith.constant 0 : i32
    return %c0_i32, %c0_i32_0, %c0_i32_1 : i32, i32, i32
  }
  func.func @transform_3(%arg0: i32, %arg1: i32) -> (i32, i32) {
    %c0_i32 = arith.constant 0 : i32
    %c0_i32_0 = arith.constant 0 : i32
    return %c0_i32, %arg1 : i32, i32
  }
  func.func @transform_4(%arg0: i32, %arg1: i32) -> (i32, i32) {
    %c0_i32 = arith.constant 0 : i32
    %c0_i32_0 = arith.constant 0 : i32
    return %arg0, %c0_i32 : i32, i32
  }
  func.func @transform_5(%arg0: i32, %arg1: i32) -> (i32, i32, i32) {
    %c0_i32 = arith.constant 0 : i32
    %c0_i32_0 = arith.constant 0 : i32
    return %arg1, %arg0, %c0_i32 : i32, i32, i32
  }
}

module attributes {stable_mosaic.version = 14 : i64} {
  func.func @body(%arg0: i32, %arg1: i32, %arg2: memref<4x400x128xf32, #tpu.memory_space<vmem>>, %arg3: memref<4x1x128xf32, #tpu.memory_space<vmem>>, %arg4: memref<4x1x128xf32, #tpu.memory_space<vmem>>, %arg5: memref<512x128xbf16, #tpu.memory_space<vmem>>, %arg6: memref<400x1xf32, #tpu.memory_space<vmem>>, %arg7: memref<1x400x128xf32, #tpu.memory_space<vmem>>) attributes {dimension_semantics = [#tpu.dimension_semantics<parallel>, #tpu.dimension_semantics<parallel>], iteration_bounds = array<i64: 25, 2>, scalar_prefetch = 0 : i64, scratch_operands = 0 : i64, tpu.core_type = #tpu.core_type<tc>, window_params = [{transform_indices = @transform_0, window_bounds = array<i64: 4, 400, 128>}, {pipeline_mode = #tpu.pipeline_mode<synchronous>, transform_indices = @transform_1, window_bounds = array<i64: 4, 1, 128>}, {pipeline_mode = #tpu.pipeline_mode<synchronous>, transform_indices = @transform_2, window_bounds = array<i64: 4, 1, 128>}, {transform_indices = @transform_3, window_bounds = array<i64: 512, 128>}, {transform_indices = @transform_4, window_bounds = array<i64: 400, 1>}, {transform_indices = @transform_5, window_bounds = array<i64: 1, 400, 128>}]} {
    %get3A = arith.constant 0 : index
    %get3A_0 = arith.constant 0 : index
    %get3A_1 = arith.constant 0 : index
    %get3A_2 = vector.load %arg2[%get3A, %get3A_0, %get3A_1] : memref<4x400x128xf32, #tpu.memory_space<vmem>>, vector<1x400x128xf32>
    %get3A_3 = vector.shape_cast %get3A_2 : vector<1x400x128xf32> to vector<400x128xf32>
    %get3A_4 = arith.constant 0 : index
    %get3A_5 = arith.constant 0 : index
    %get3A_6 = vector.load %arg6[%get3A_4, %get3A_5] : memref<400x1xf32, #tpu.memory_space<vmem>>, vector<400x1xf32>
    %mul3A = vector.broadcast %get3A_6 : vector<400x1xf32> to vector<400x128xf32>
    %mul3A_7 = arith.mulf %get3A_3, %mul3A : vector<400x128xf32>
    %get3A_8 = arith.constant 0 : index
    %get3A_9 = arith.constant 0 : index
    %get3A_10 = arith.constant 0 : index
    %get3A_11 = vector.load %arg3[%get3A_8, %get3A_9, %get3A_10] : memref<4x1x128xf32, #tpu.memory_space<vmem>>, vector<1x1x128xf32>
    %get3A_12 = vector.shape_cast %get3A_11 : vector<1x1x128xf32> to vector<1x128xf32>
    %mul3A_13 = vector.broadcast %get3A_12 : vector<1x128xf32> to vector<400x128xf32>
    %mul3A_14 = arith.mulf %mul3A_7, %mul3A_13 : vector<400x128xf32>
    %get3A_15 = arith.constant 0 : index
    %get3A_16 = arith.constant 0 : index
    %get3A_17 = arith.constant 0 : index
    %get3A_18 = vector.load %arg4[%get3A_15, %get3A_16, %get3A_17] : memref<4x1x128xf32, #tpu.memory_space<vmem>>, vector<1x1x128xf32>
    %get3A_19 = vector.shape_cast %get3A_18 : vector<1x1x128xf32> to vector<1x128xf32>
    %add3A = vector.broadcast %get3A_19 : vector<1x128xf32> to vector<400x128xf32>
    %add3A_20 = arith.addf %mul3A_14, %add3A : vector<400x128xf32>
    %max3A = arith.constant 0.000000e+00 : f32
    %max3A_21 = vector.broadcast %max3A : f32 to vector<400x128xf32>
    %max3A_22 = arith.maximumf %add3A_20, %max3A_21 : vector<400x128xf32>
    %convert_element_type3A = arith.truncf %max3A_22 : vector<400x128xf32> to vector<400x128xbf16>
    %get3A_23 = arith.constant 0 : index
    %get3A_24 = arith.constant 0 : index
    %get3A_25 = vector.load %arg5[%get3A_23, %get3A_24] : memref<512x128xbf16, #tpu.memory_space<vmem>>, vector<128x128xbf16>
    %dot_general3A = arith.constant dense<0.000000e+00> : vector<400x128xf32>
    %dot_general3A_26 = tpu.matmul %convert_element_type3A, %get3A_25, %dot_general3A {dimension_numbers = #tpu.dot_dimension_numbers<[1], [0], [0], [1], [0, 0, 1, 1], [], []>, transpose_lhs_hint = false} : vector<400x128xbf16>, vector<128x128xbf16>, vector<400x128xf32> -> vector<400x128xf32>
    %get3A_27 = arith.constant 1 : index
    %get3A_28 = arith.constant 0 : index
    %get3A_29 = arith.constant 0 : index
    %get3A_30 = vector.load %arg2[%get3A_27, %get3A_28, %get3A_29] : memref<4x400x128xf32, #tpu.memory_space<vmem>>, vector<1x400x128xf32>
    %get3A_31 = vector.shape_cast %get3A_30 : vector<1x400x128xf32> to vector<400x128xf32>
    %get3A_32 = arith.constant 0 : index
    %get3A_33 = arith.constant 0 : index
    %get3A_34 = vector.load %arg6[%get3A_32, %get3A_33] : memref<400x1xf32, #tpu.memory_space<vmem>>, vector<400x1xf32>
    %mul3A_35 = vector.broadcast %get3A_34 : vector<400x1xf32> to vector<400x128xf32>
    %mul3A_36 = arith.mulf %get3A_31, %mul3A_35 : vector<400x128xf32>
    %get3A_37 = arith.constant 1 : index
    %get3A_38 = arith.constant 0 : index
    %get3A_39 = arith.constant 0 : index
    %get3A_40 = vector.load %arg3[%get3A_37, %get3A_38, %get3A_39] : memref<4x1x128xf32, #tpu.memory_space<vmem>>, vector<1x1x128xf32>
    %get3A_41 = vector.shape_cast %get3A_40 : vector<1x1x128xf32> to vector<1x128xf32>
    %mul3A_42 = vector.broadcast %get3A_41 : vector<1x128xf32> to vector<400x128xf32>
    %mul3A_43 = arith.mulf %mul3A_36, %mul3A_42 : vector<400x128xf32>
    %get3A_44 = arith.constant 1 : index
    %get3A_45 = arith.constant 0 : index
    %get3A_46 = arith.constant 0 : index
    %get3A_47 = vector.load %arg4[%get3A_44, %get3A_45, %get3A_46] : memref<4x1x128xf32, #tpu.memory_space<vmem>>, vector<1x1x128xf32>
    %get3A_48 = vector.shape_cast %get3A_47 : vector<1x1x128xf32> to vector<1x128xf32>
    %add3A_49 = vector.broadcast %get3A_48 : vector<1x128xf32> to vector<400x128xf32>
    %add3A_50 = arith.addf %mul3A_43, %add3A_49 : vector<400x128xf32>
    %max3A_51 = arith.constant 0.000000e+00 : f32
    %max3A_52 = vector.broadcast %max3A_51 : f32 to vector<400x128xf32>
    %max3A_53 = arith.maximumf %add3A_50, %max3A_52 : vector<400x128xf32>
    %convert_element_type3A_54 = arith.truncf %max3A_53 : vector<400x128xf32> to vector<400x128xbf16>
    %get3A_55 = arith.constant 128 : index
    %get3A_56 = arith.constant 0 : index
    %get3A_57 = vector.load %arg5[%get3A_55, %get3A_56] : memref<512x128xbf16, #tpu.memory_space<vmem>>, vector<128x128xbf16>
    %dot_general3A_58 = arith.constant dense<0.000000e+00> : vector<400x128xf32>
    %dot_general3A_59 = tpu.matmul %convert_element_type3A_54, %get3A_57, %dot_general3A_58 {dimension_numbers = #tpu.dot_dimension_numbers<[1], [0], [0], [1], [0, 0, 1, 1], [], []>, transpose_lhs_hint = false} : vector<400x128xbf16>, vector<128x128xbf16>, vector<400x128xf32> -> vector<400x128xf32>
    %add3A_60 = arith.addf %dot_general3A_26, %dot_general3A_59 : vector<400x128xf32>
    %get3A_61 = arith.constant 2 : index
    %get3A_62 = arith.constant 0 : index
    %get3A_63 = arith.constant 0 : index
    %get3A_64 = vector.load %arg2[%get3A_61, %get3A_62, %get3A_63] : memref<4x400x128xf32, #tpu.memory_space<vmem>>, vector<1x400x128xf32>
    %get3A_65 = vector.shape_cast %get3A_64 : vector<1x400x128xf32> to vector<400x128xf32>
    %get3A_66 = arith.constant 0 : index
    %get3A_67 = arith.constant 0 : index
    %get3A_68 = vector.load %arg6[%get3A_66, %get3A_67] : memref<400x1xf32, #tpu.memory_space<vmem>>, vector<400x1xf32>
    %mul3A_69 = vector.broadcast %get3A_68 : vector<400x1xf32> to vector<400x128xf32>
    %mul3A_70 = arith.mulf %get3A_65, %mul3A_69 : vector<400x128xf32>
    %get3A_71 = arith.constant 2 : index
    %get3A_72 = arith.constant 0 : index
    %get3A_73 = arith.constant 0 : index
    %get3A_74 = vector.load %arg3[%get3A_71, %get3A_72, %get3A_73] : memref<4x1x128xf32, #tpu.memory_space<vmem>>, vector<1x1x128xf32>
    %get3A_75 = vector.shape_cast %get3A_74 : vector<1x1x128xf32> to vector<1x128xf32>
    %mul3A_76 = vector.broadcast %get3A_75 : vector<1x128xf32> to vector<400x128xf32>
    %mul3A_77 = arith.mulf %mul3A_70, %mul3A_76 : vector<400x128xf32>
    %get3A_78 = arith.constant 2 : index
    %get3A_79 = arith.constant 0 : index
    %get3A_80 = arith.constant 0 : index
    %get3A_81 = vector.load %arg4[%get3A_78, %get3A_79, %get3A_80] : memref<4x1x128xf32, #tpu.memory_space<vmem>>, vector<1x1x128xf32>
    %get3A_82 = vector.shape_cast %get3A_81 : vector<1x1x128xf32> to vector<1x128xf32>
    %add3A_83 = vector.broadcast %get3A_82 : vector<1x128xf32> to vector<400x128xf32>
    %add3A_84 = arith.addf %mul3A_77, %add3A_83 : vector<400x128xf32>
    %max3A_85 = arith.constant 0.000000e+00 : f32
    %max3A_86 = vector.broadcast %max3A_85 : f32 to vector<400x128xf32>
    %max3A_87 = arith.maximumf %add3A_84, %max3A_86 : vector<400x128xf32>
    %convert_element_type3A_88 = arith.truncf %max3A_87 : vector<400x128xf32> to vector<400x128xbf16>
    %get3A_89 = arith.constant 256 : index
    %get3A_90 = arith.constant 0 : index
    %get3A_91 = vector.load %arg5[%get3A_89, %get3A_90] : memref<512x128xbf16, #tpu.memory_space<vmem>>, vector<128x128xbf16>
    %dot_general3A_92 = arith.constant dense<0.000000e+00> : vector<400x128xf32>
    %dot_general3A_93 = tpu.matmul %convert_element_type3A_88, %get3A_91, %dot_general3A_92 {dimension_numbers = #tpu.dot_dimension_numbers<[1], [0], [0], [1], [0, 0, 1, 1], [], []>, transpose_lhs_hint = false} : vector<400x128xbf16>, vector<128x128xbf16>, vector<400x128xf32> -> vector<400x128xf32>
    %add3A_94 = arith.addf %add3A_60, %dot_general3A_93 : vector<400x128xf32>
    %get3A_95 = arith.constant 3 : index
    %get3A_96 = arith.constant 0 : index
    %get3A_97 = arith.constant 0 : index
    %get3A_98 = vector.load %arg2[%get3A_95, %get3A_96, %get3A_97] : memref<4x400x128xf32, #tpu.memory_space<vmem>>, vector<1x400x128xf32>
    %get3A_99 = vector.shape_cast %get3A_98 : vector<1x400x128xf32> to vector<400x128xf32>
    %get3A_100 = arith.constant 0 : index
    %get3A_101 = arith.constant 0 : index
    %get3A_102 = vector.load %arg6[%get3A_100, %get3A_101] : memref<400x1xf32, #tpu.memory_space<vmem>>, vector<400x1xf32>
    %mul3A_103 = vector.broadcast %get3A_102 : vector<400x1xf32> to vector<400x128xf32>
    %mul3A_104 = arith.mulf %get3A_99, %mul3A_103 : vector<400x128xf32>
    %get3A_105 = arith.constant 3 : index
    %get3A_106 = arith.constant 0 : index
    %get3A_107 = arith.constant 0 : index
    %get3A_108 = vector.load %arg3[%get3A_105, %get3A_106, %get3A_107] : memref<4x1x128xf32, #tpu.memory_space<vmem>>, vector<1x1x128xf32>
    %get3A_109 = vector.shape_cast %get3A_108 : vector<1x1x128xf32> to vector<1x128xf32>
    %mul3A_110 = vector.broadcast %get3A_109 : vector<1x128xf32> to vector<400x128xf32>
    %mul3A_111 = arith.mulf %mul3A_104, %mul3A_110 : vector<400x128xf32>
    %get3A_112 = arith.constant 3 : index
    %get3A_113 = arith.constant 0 : index
    %get3A_114 = arith.constant 0 : index
    %get3A_115 = vector.load %arg4[%get3A_112, %get3A_113, %get3A_114] : memref<4x1x128xf32, #tpu.memory_space<vmem>>, vector<1x1x128xf32>
    %get3A_116 = vector.shape_cast %get3A_115 : vector<1x1x128xf32> to vector<1x128xf32>
    %add3A_117 = vector.broadcast %get3A_116 : vector<1x128xf32> to vector<400x128xf32>
    %add3A_118 = arith.addf %mul3A_111, %add3A_117 : vector<400x128xf32>
    %max3A_119 = arith.constant 0.000000e+00 : f32
    %max3A_120 = vector.broadcast %max3A_119 : f32 to vector<400x128xf32>
    %max3A_121 = arith.maximumf %add3A_118, %max3A_120 : vector<400x128xf32>
    %convert_element_type3A_122 = arith.truncf %max3A_121 : vector<400x128xf32> to vector<400x128xbf16>
    %get3A_123 = arith.constant 384 : index
    %get3A_124 = arith.constant 0 : index
    %get3A_125 = vector.load %arg5[%get3A_123, %get3A_124] : memref<512x128xbf16, #tpu.memory_space<vmem>>, vector<128x128xbf16>
    %dot_general3A_126 = arith.constant dense<0.000000e+00> : vector<400x128xf32>
    %dot_general3A_127 = tpu.matmul %convert_element_type3A_122, %get3A_125, %dot_general3A_126 {dimension_numbers = #tpu.dot_dimension_numbers<[1], [0], [0], [1], [0, 0, 1, 1], [], []>, transpose_lhs_hint = false} : vector<400x128xbf16>, vector<128x128xbf16>, vector<400x128xf32> -> vector<400x128xf32>
    %add3A_128 = arith.addf %add3A_94, %dot_general3A_127 : vector<400x128xf32>
    %get3A_129 = arith.constant 0 : index
    %get3A_130 = arith.constant 0 : index
    %get3A_131 = vector.load %arg6[%get3A_129, %get3A_130] : memref<400x1xf32, #tpu.memory_space<vmem>>, vector<400x1xf32>
    %mul3A_132 = vector.broadcast %get3A_131 : vector<400x1xf32> to vector<400x128xf32>
    %mul3A_133 = arith.mulf %add3A_128, %mul3A_132 : vector<400x128xf32>
    %swap3A = arith.constant 0 : index
    %swap3A_134 = arith.constant 0 : index
    %swap3A_135 = arith.constant 0 : index
    %swap3A_136 = vector.load %arg7[%swap3A, %swap3A_134, %swap3A_135] : memref<1x400x128xf32, #tpu.memory_space<vmem>>, vector<1x400x128xf32>
    %swap3A_137 = vector.shape_cast %swap3A_136 : vector<1x400x128xf32> to vector<400x128xf32>
    %swap3A_138 = vector.shape_cast %mul3A_133 : vector<400x128xf32> to vector<1x400x128xf32>
    tpu.vector_store %arg7[%swap3A, %swap3A_134, %swap3A_135], %swap3A_138 {strides = array<i32>} : memref<1x400x128xf32, #tpu.memory_space<vmem>>, vector<1x400x128xf32>,
    return
  }
  func.func @transform_0(%arg0: i32, %arg1: i32) -> (i32, i32, i32) {
    %c0_i32 = arith.constant 0 : i32
    %c0_i32_0 = arith.constant 0 : i32
    %c0_i32_1 = arith.constant 0 : i32
    return %c0_i32, %arg0, %c0_i32_0 : i32, i32, i32
  }
  func.func @transform_1(%arg0: i32, %arg1: i32) -> (i32, i32, i32) {
    %c0_i32 = arith.constant 0 : i32
    %c0_i32_0 = arith.constant 0 : i32
    %c0_i32_1 = arith.constant 0 : i32
    %c0_i32_2 = arith.constant 0 : i32
    return %c0_i32, %c0_i32_0, %c0_i32_1 : i32, i32, i32
  }
  func.func @transform_2(%arg0: i32, %arg1: i32) -> (i32, i32, i32) {
    %c0_i32 = arith.constant 0 : i32
    %c0_i32_0 = arith.constant 0 : i32
    %c0_i32_1 = arith.constant 0 : i32
    %c0_i32_2 = arith.constant 0 : i32
    return %c0_i32, %c0_i32_0, %c0_i32_1 : i32, i32, i32
  }
  func.func @transform_3(%arg0: i32, %arg1: i32) -> (i32, i32) {
    %c0_i32 = arith.constant 0 : i32
    %c0_i32_0 = arith.constant 0 : i32
    return %c0_i32, %arg1 : i32, i32
  }
  func.func @transform_4(%arg0: i32, %arg1: i32) -> (i32, i32) {
    %c0_i32 = arith.constant 0 : i32
    %c0_i32_0 = arith.constant 0 : i32
    return %arg0, %c0_i32 : i32, i32
  }
  func.func @transform_5(%arg0: i32, %arg1: i32) -> (i32, i32, i32) {
    %c0_i32 = arith.constant 0 : i32
    %c0_i32_0 = arith.constant 0 : i32
    return %arg1, %arg0, %c0_i32 : i32, i32, i32
  }
}

module attributes {stable_mosaic.version = 14 : i64} {
  func.func @body(%arg0: i32, %arg1: memref<2x400x128xf32, #tpu.memory_space<vmem>>, %arg2: memref<400x1xf32, #tpu.memory_space<vmem>>, %arg3: memref<2x128xf32, #tpu.memory_space<vmem>>, %arg4: memref<400x256xf32, #tpu.memory_space<vmem>>) attributes {dimension_semantics = [#tpu.dimension_semantics<arbitrary>], iteration_bounds = array<i64: 25>, scalar_prefetch = 0 : i64, scratch_operands = 0 : i64, tpu.core_type = #tpu.core_type<tc>, window_params = [{transform_indices = @transform_0, window_bounds = array<i64: 2, 400, 128>}, {transform_indices = @transform_1, window_bounds = array<i64: 400, 1>}, {pipeline_mode = #tpu.pipeline_mode<synchronous>, transform_indices = @transform_2, window_bounds = array<i64: 2, 128>}, {transform_indices = @transform_3, window_bounds = array<i64: 400, 256>}]} {
    %get3A = arith.constant 0 : index
    %get3A_0 = arith.constant 0 : index
    %get3A_1 = arith.constant 0 : index
    %get3A_2 = vector.load %arg1[%get3A, %get3A_0, %get3A_1] : memref<2x400x128xf32, #tpu.memory_space<vmem>>, vector<1x400x128xf32>
    %get3A_3 = vector.shape_cast %get3A_2 : vector<1x400x128xf32> to vector<400x128xf32>
    %get3A_4 = arith.constant 0 : index
    %get3A_5 = arith.constant 0 : index
    %get3A_6 = vector.load %arg2[%get3A_4, %get3A_5] : memref<400x1xf32, #tpu.memory_space<vmem>>, vector<400x1xf32>
    %mul3A = vector.broadcast %get3A_6 : vector<400x1xf32> to vector<400x128xf32>
    %mul3A_7 = arith.mulf %get3A_3, %mul3A : vector<400x128xf32>
    %get3A_8 = arith.constant 0 : index
    %get3A_9 = arith.constant 0 : index
    %get3A_10 = vector.load %arg3[%get3A_8, %get3A_9] : memref<2x128xf32, #tpu.memory_space<vmem>>, vector<1x128xf32>
    %get3A_11 = vector.shape_cast %get3A_10 : vector<1x128xf32> to vector<128xf32>
    %broadcast_in_dim3A = vector.shape_cast %get3A_11 : vector<128xf32> to vector<1x128xf32>
    %add3A = vector.broadcast %broadcast_in_dim3A : vector<1x128xf32> to vector<400x128xf32>
    %add3A_12 = arith.addf %mul3A_7, %add3A : vector<400x128xf32>
    %get3A_13 = arith.constant 1 : index
    %get3A_14 = arith.constant 0 : index
    %get3A_15 = arith.constant 0 : index
    %get3A_16 = vector.load %arg1[%get3A_13, %get3A_14, %get3A_15] : memref<2x400x128xf32, #tpu.memory_space<vmem>>, vector<1x400x128xf32>
    %get3A_17 = vector.shape_cast %get3A_16 : vector<1x400x128xf32> to vector<400x128xf32>
    %get3A_18 = arith.constant 0 : index
    %get3A_19 = arith.constant 0 : index
    %get3A_20 = vector.load %arg2[%get3A_18, %get3A_19] : memref<400x1xf32, #tpu.memory_space<vmem>>, vector<400x1xf32>
    %mul3A_21 = vector.broadcast %get3A_20 : vector<400x1xf32> to vector<400x128xf32>
    %mul3A_22 = arith.mulf %get3A_17, %mul3A_21 : vector<400x128xf32>
    %get3A_23 = arith.constant 1 : index
    %get3A_24 = arith.constant 0 : index
    %get3A_25 = vector.load %arg3[%get3A_23, %get3A_24] : memref<2x128xf32, #tpu.memory_space<vmem>>, vector<1x128xf32>
    %get3A_26 = vector.shape_cast %get3A_25 : vector<1x128xf32> to vector<128xf32>
    %broadcast_in_dim3A_27 = vector.shape_cast %get3A_26 : vector<128xf32> to vector<1x128xf32>
    %add3A_28 = vector.broadcast %broadcast_in_dim3A_27 : vector<1x128xf32> to vector<400x128xf32>
    %add3A_29 = arith.addf %mul3A_22, %add3A_28 : vector<400x128xf32>
    %concatenate3A = tpu.concatenate %add3A_12, %add3A_29 in 1 : vector<400x128xf32>, vector<400x128xf32> -> vector<400x256xf32>
    %reduce_max3A = arith.constant dense<0xFF800000> : vector<400xf32>
    %reduce_max3A_30 = vector.multi_reduction <maximumf>, %concatenate3A, %reduce_max3A [1] : vector<400x256xf32> to vector<400xf32>
    %broadcast_in_dim3A_31 = vector.shape_cast %reduce_max3A_30 : vector<400xf32> to vector<400x1xf32>
    %sub3A = vector.broadcast %broadcast_in_dim3A_31 : vector<400x1xf32> to vector<400x256xf32>
    %sub3A_32 = arith.subf %concatenate3A, %sub3A : vector<400x256xf32>
    %exp3A = math.exp %sub3A_32 : vector<400x256xf32>
    %reduce_sum3A = arith.constant dense<0.000000e+00> : vector<400xf32>
    %reduce_sum3A_33 = vector.multi_reduction <add>, %exp3A, %reduce_sum3A [1] : vector<400x256xf32> to vector<400xf32>
    %broadcast_in_dim3A_34 = vector.shape_cast %reduce_sum3A_33 : vector<400xf32> to vector<400x1xf32>
    %log3A = math.log %broadcast_in_dim3A_34 : vector<400x1xf32>
    %add3A_35 = arith.addf %log3A, %broadcast_in_dim3A_31 : vector<400x1xf32>
    %sub3A_36 = vector.broadcast %add3A_35 : vector<400x1xf32> to vector<400x256xf32>
    %sub3A_37 = arith.subf %concatenate3A, %sub3A_36 : vector<400x256xf32>
    %swap3A = arith.constant 0 : index
    %swap3A_38 = arith.constant 0 : index
    %swap3A_39 = vector.load %arg4[%swap3A, %swap3A_38] : memref<400x256xf32, #tpu.memory_space<vmem>>, vector<400x256xf32>
    tpu.vector_store %arg4[%swap3A, %swap3A_38], %sub3A_37 {strides = array<i32>} : memref<400x256xf32, #tpu.memory_space<vmem>>, vector<400x256xf32>,
    return
  }
  func.func @transform_0(%arg0: i32) -> (i32, i32, i32) {
    %c0_i32 = arith.constant 0 : i32
    %c0_i32_0 = arith.constant 0 : i32
    %c0_i32_1 = arith.constant 0 : i32
    return %c0_i32, %arg0, %c0_i32_0 : i32, i32, i32
  }
  func.func @transform_1(%arg0: i32) -> (i32, i32) {
    %c0_i32 = arith.constant 0 : i32
    %c0_i32_0 = arith.constant 0 : i32
    return %arg0, %c0_i32 : i32, i32
  }
  func.func @transform_2(%arg0: i32) -> (i32, i32) {
    %c0_i32 = arith.constant 0 : i32
    %c0_i32_0 = arith.constant 0 : i32
    %c0_i32_1 = arith.constant 0 : i32
    return %c0_i32, %c0_i32_0 : i32, i32
  }
  func.func @transform_3(%arg0: i32) -> (i32, i32) {
    %c0_i32 = arith.constant 0 : i32
    %c0_i32_0 = arith.constant 0 : i32
    return %arg0, %c0_i32 : i32, i32
  }
}

</mosaic_0001>

<sc_bundles>
// kernel: kernel.11.cloned.1.call-start
scs
__scs_entry_jumppad:
0x0: {  	(pc) =	sbr.rel $0x88, $3  }
0x1: {  	(tag) =	ssettag $0x0;
	lr =	simm.s32 $0x1  }
0x2: {  	[smem:$0x3F95] =	sst lr;
	_ =	strace $0xD0000000  }
0x3: {  	_ = 	snop  }
0x4: {  	_ = 	snop  }
0x5: {  	_ = 	snop  }
0x6: {  	_ = 	snop  }
0x7: {  	_ = 	snop  }
__scs_overlays_trampoline_lowered:
0x8: {  	[smem:$0x3FA4] =	sst s0  }
0x9: {  	[smem:$0x3FA5] =	sst s1  }
0xa: {  	[smem:$0x3FA6] =	sst s2  }
0xb: {  	[smem:$0x3FA7] =	sst s3  }
0xc: {  	[smem:$0x3FA8] =	sst s4  }
0xd: {  	[smem:$0x3FA9] =	sst s5  }
0xe: {  	[smem:$0x3FAA] =	sst s6  }
0xf: {  	[smem:$0x3FAB] =	sst s7  }
0x10: {  	[smem:$0x3FAC] =	sst s8  }
0x11: {  	[smem:$0x3FAD] =	sst s9;
	s0 =	simm.s32 @!p0 $0x0  }
0x12: {  	s1 =	sld [smem:$0x3F93];
	s0 =	simm.s32 @p0 $0x1  }
0x13: {  	[smem:$0x3FAE] =	sst s0;
	s0 =	simm.s32 @!p1 $0x0  }
0x14: {  	s2 =	sld [smem:$0x3F92];
	s0 =	simm.s32 @p1 $0x1  }
0x15: {  	[smem:$0x3FAF] =	sst s0;
	s0 =	simm.s32 @!p2 $0x0  }
0x16: {  	s3 =	sld [smem:$0x3FDB];
	s0 =	simm.s32 @p2 $0x1  }
0x17: {  	s4 =	simm.s32 $0x1BF5;
	[smem:$0x3FB1] =	sst s0  }
0x18: {  	s0 =	sld [smem:$0x3F94];
	_ =	swait.ge [sflag:s4], $0x0  }
0x19: {  	s7 =	sld [smem:$0x3F95]  }
0x1a: {  	s8 =	sadd.s32 $0xFFFFE003, lr  }
0x1b: {  	s9 =	sadd.s32 $0xFFFFFEF7, lr;
	s5 =	simm.s32 $0xFFFFFFFF;
	p2 =	slt.u32 s8, $0xFFFFF086  }
0x1c: {  	p1 =	slt.u32 s9, $0xF7A;
	s5 =	simm.s32 @!p2 $0x0  }
0x1d: {  	s5 =	simm.s32 @p1 $0x1;
	p0 =	seq.s32 s7, s2  }
0x1e: {  	s7 =	smul.u32 @!p0 $0xF7A, s2;
	p2 =	seq.s32 @!p0 s5, $0x0  }
0x1f: {  	s9 =	smul.u32 $0xF7A, s1;
	s8 =	simm.s32 @!p0 $0x1BF5;
	p2 =	por !p2, p0  }
0x20: {  	[sflag:s8] =	ssyncset.s32 @!p0 $0xFFFFF086;
	s6 =	sadd.s32 @!p0 s3, s7;
	s7 =	simm.s32 @!p0 $0x108  }
0x21: {  	s3 =	sadd.s32 s3, s9;
	s6 =	sadd.s32 @!p0 $0x88, s6;
	s7 =	simm.s32 @p2 $0x1082  }
0x22: {  	[simem:s7], [sflag:s8] =	dma.local @!p0 [hbm:s6], $0xF7A  }
0x23: {  	s9 =	sor.u32 $0xD0000000, s2;
	s6 =	simm.s32 $0x108;
	_ =	swait.ge @!p0 [sflag:s8], $0x0  }
0x24: {  	s3 =	sadd.s32 $0x88, s3;
	s6 =	simm.s32 @!p1 $0x1082;
	[sflag:s4] =	ssyncset.s32 $0xFFFFF086  }
0x25: {  	[simem:s6], [sflag:s4] =	dma.local [hbm:s3], $0xF7A  }
0x26: {  	[smem:$0x3F95] =	sst s1;
	(tag) =	ssettag s2;
	_ =	strace s9  }
0x27: {  	s1 =	sld [smem:$0x3FA5]  }
0x28: {  	s2 =	sld [smem:$0x3FA6]  }
0x29: {  	s4 =	sld [smem:$0x3FA8]  }
0x2a: {  	p0 =	seq.s32 s5, $0x0;
	s5 =	sld [smem:$0x3FA9]  }
0x2b: {  	s6 =	sld [smem:$0x3FAA]  }
0x2c: {  	s7 =	sld [smem:$0x3FAB]  }
0x2d: {  	s3 =	simm.s32 $0x108;
	s8 =	sld [smem:$0x3FAC]  }
0x2e: {  	s3 =	simm.s32 @!p0 $0x1082;
	s9 =	sld [smem:$0x3FAD]  }
0x2f: {  	lr =	sadd.s32 s0, s3;
	s0 =	sld [smem:$0x3FA4]  }
0x30: {  	s3 =	sld [smem:$0x3FA7]  }
0x31: {  	[smem:$0x3FB0] =	sst s10  }
0x32: {  	s10 =	sld [smem:$0x3FAE];
	_ =	sdelay $0x3  }
0x33: {  	p0 =	seq.s32 s10, $0x1;
	s10 =	sld [smem:$0x3FB0];
	_ =	sdelay $0x3  }
0x34: {  	[smem:$0x3FB0] =	sst s10  }
0x35: {  	s10 =	sld [smem:$0x3FAF];
	_ =	sdelay $0x3  }
0x36: {  	p1 =	seq.s32 s10, $0x1;
	s10 =	sld [smem:$0x3FB0];
	_ =	sdelay $0x3  }
0x37: {  	[smem:$0x3FB0] =	sst s10  }
0x38: {  	s10 =	sld [smem:$0x3FB1]  }
0x39: {  	_ = 	snop;
	(pc) =	sbr.ind lr, $3  }
0x3a: {  	_ = 	snop  }
0x3b: {  	_ = 	snop  }
0x3c: {  	p2 =	seq.s32 s10, $0x1;
	s10 =	sld [smem:$0x3FB0]  }
0x3d: {  	_ =	shalt  }
0x3e: {  	_ =	shalt  }
0x3f: {  	_ =	shalt  }
0x40: {  	_ =	shalt  }
0x41: {  	_ =	shalt  }
0x42: {  	_ =	shalt  }
0x43: {  	_ =	shalt  }
0x44: {  	_ =	shalt  }
0x45: {  	_ =	shalt  }
0x46: {  	_ =	shalt  }
0x47: {  	_ =	shalt  }
0x48: {  	_ =	shalt  }
0x49: {  	_ =	shalt  }
0x4a: {  	_ =	shalt  }
0x4b: {  	_ =	shalt  }
0x4c: {  	_ =	shalt  }
0x4d: {  	_ =	shalt  }
0x4e: {  	_ =	shalt  }
0x4f: {  	_ =	shalt  }
0x50: {  	_ =	shalt  }
0x51: {  	_ =	shalt  }
0x52: {  	_ =	shalt  }
0x53: {  	_ =	shalt  }
0x54: {  	_ =	shalt  }
0x55: {  	_ =	shalt  }
0x56: {  	_ =	shalt  }
0x57: {  	_ =	shalt  }
0x58: {  	_ =	shalt  }
0x59: {  	_ =	shalt  }
0x5a: {  	_ =	shalt  }
0x5b: {  	_ =	shalt  }
0x5c: {  	_ =	shalt  }
0x5d: {  	_ =	shalt  }
0x5e: {  	_ =	shalt  }
0x5f: {  	_ =	shalt  }
0x60: {  	_ =	shalt  }
0x61: {  	_ =	shalt  }
0x62: {  	_ =	shalt  }
0x63: {  	_ =	shalt  }
0x64: {  	_ =	shalt  }
0x65: {  	_ =	shalt  }
0x66: {  	_ =	shalt  }
0x67: {  	_ =	shalt  }
0x68: {  	_ =	shalt  }
0x69: {  	_ =	shalt  }
0x6a: {  	_ =	shalt  }
0x6b: {  	_ =	shalt  }
0x6c: {  	_ =	shalt  }
0x6d: {  	_ =	shalt  }
0x6e: {  	_ =	shalt  }
0x6f: {  	_ =	shalt  }
0x70: {  	_ =	shalt  }
0x71: {  	_ =	shalt  }
0x72: {  	_ =	shalt  }
0x73: {  	_ =	shalt  }
0x74: {  	_ =	shalt  }
0x75: {  	_ =	shalt  }
0x76: {  	_ =	shalt  }
0x77: {  	_ =	shalt  }
0x78: {  	_ =	shalt  }
0x79: {  	_ =	shalt  }
0x7a: {  	_ =	shalt  }
0x7b: {  	_ =	shalt  }
0x7c: {  	_ =	shalt  }
0x7d: {  	_ =	shalt  }
0x7e: {  	_ =	shalt  }
0x7f: {  	_ =	shalt  }
0x80: {  	_ =	shalt  }
0x81: {  	_ =	shalt  }
0x82: {  	_ =	shalt  }
0x83: {  	_ =	shalt  }
0x84: {  	_ =	shalt  }
0x85: {  	_ =	shalt  }
0x86: {  	_ =	shalt  }
0x87: {  	_ =	shalt  }
.Lfunc_end0:
.L_simem_size_0:
called_computation_lowered:
.L_overlay_start_0:
0x88: {  	s2 =	sld [smem:$0x3FD9]  }
0x89: {  	s3 =	sld [smem:$0x3FFE];
	_ =	sdelay $0x1  }
0x8a: {  	s1 =	srdreg.scid  }
0x8b: {  	s0 =	sand.u32 $0x1, s1  }
0x8c: {  	s16 =	sshll.u32 s0, $0xA;
	s2 =	sadd.s32 s3, s2  }
0x8d: {  	s2 =	sadd.s32 s2, s16  }
0x8e: {  	[smem:$0x3FBC] =	sst s2  }
0x8f: {  	_ = 	snop  }
0x90: {  	(tm) =	ssettm $0x1  }
0x91: {  	s17 =	sld [smem:$0x3FFB];
	_ =	sdelay $0x3  }
0x92: {  	_ =	strace s17  }
0x93: {  	s2 =	sld [smem:$0x3FFC];
	_ =	sdelay $0x3  }
0x94: {  	_ =	strace s2  }
0x95: {  	s2 =	sld [smem:$0x3FFD];
	_ =	sdelay $0x3  }
0x96: {  	_ =	strace s2  }
0x97: {  	_ =	strace $0x8FFFFFFF  }
0x98: {  	s18 =	sld [smem:$0x3FDB];
	_ =	sdelay $0x1  }
0x99: {  	s19 =	simm.s32 $_scs_section_size  }
0x9a: {  	s4 =	simm.s32 $_size__tile_overlayer_lowered;
	s5 =	simm.s32 $_tile_overlayer_lowered  }
0x9b: {  	s22 =	simm.s32 $0x1BFF;
	s21 =	sshll.u32 s5, $0x1;
	s2 =	sadd.s32 s19, s18  }
0x9c: {  	s6 =	simm.s32 $0x0;
	s20 =	sshll.u32 s4, $0x1;
	s4 =	sadd.s32 s21, s2  }
0x9d: {  	[timem:s6], [sflag:s22] =	dma.local [hbm:s4], s20  }
0x9e: {  	_ =	swait.ge [sflag:s22], s20  }
0x9f: {  	s3 =	ssub.s32 $0x0, s20;
	[sflag:s22] =	ssyncset.done $0x0  }
0xa0: {  	[sflag:s22] =	ssyncadd.s32 s3;
	_ =	sdelay $0x1  }
0xa1: {  	s23 =	simm.s32 $0x1B8B  }
0xa2: {  	_ =	swait.ge [sflag:s23], $0x1  }
0xa3: {  	[sflag:s23] =	ssyncset.done $0x0  }
0xa4: {  	s25 =	simm.s32 $0x1B8E;
	s24 =	sld [smem:$0x3FFE];
	[sflag:s23] =	ssyncadd.s32 $0xFFFFFFFF  }
0xa5: {  	s26 =	simm.s32 $execute0_lowered;
	[smem:$0x3FD2] =	sst s25  }
0xa6: {  	s4 =	sshll.u32 s26, $0x1;
	_ =	strace $0x80000046;
	[dreg:$0x1] =	wrdreg $0xFFFFFFFF  }
0xa7: {  	s28 =	simm.s32 $_size_execute0_lowered;
	s2 =	sadd.s32 s2, s4;
	[dreg:$0x0] =	wrdreg $0x0  }
0xa8: {  	s4 =	sshll.u32 s28, $0x1;
	[dreg:$0x2] =	wrdreg s2  }
0xa9: {  	[dreg:$0x3] =	wrdreg s4  }
0xaa: {  	[dreg:$0x4] =	wrdreg $0xC0  }
0xab: {  	_ =	task [dreg:s6], $0x5FFFF  }
0xac: {  	[dreg:$0x1] =	wrdreg $0xFFFFFFFF  }
0xad: {  	[dreg:$0x0] =	wrdreg $0x60  }
0xae: {  	[dreg:$0x2] =	wrdreg s24  }
0xaf: {  	[dreg:$0x3] =	wrdreg $0x17000  }
0xb0: {  	[dreg:$0x4] =	wrdreg $0x9  }
0xb1: {  	_ =	task.clear_ibuf [dreg:s6], $0x5FFFF;
	_ =	strace $0x90000046  }
0xb2: {  	s29 =	simm.s32 $0x9;
	_ =	strace $0x80000048  }
0xb3: {  	_ =	swait.ge [sflag:s29], $0x1  }
0xb4: {  	[sflag:s29] =	ssyncadd.s32 $0xFFFFFFFF  }
0xb5: {  	_ =	strace $0x90000048  }
0xb6: {  	_ =	sfence  }
0xb7: {  	s30 =	sld [smem:$0x0];
	_ =	sdelay $0x2  }
0xb8: {  	s31 =	sshll.u32 s1, $0xD;
	s1 =	sshrl.u32 s1, $0x2  }
0xb9: {  	s3 =	sand.u32 $0x4000, s31;
	s1 =	sadd.s32 s1, s30  }
0xba: {  	s0 =	sor.u32 s3, s0;
	s1 =	sshll.u32 s1, $0x11  }
0xbb: {  	s0 =	sor.u32 s1, s0  }
0xbc: {  	s0 =	sadd.s32 $0x8F2B, s0  }
0xbd: {  	[sflag:s0] =	ssyncadd.remote.s32 $0x1  }
0xbe: {  	_ =	sfence.sel $0xFFFF  }
0xbf: {  	[dreg:$0x0] =	wrdreg $0xFFFFFFFF;
	(pc) =	sbr.abs _section_cstart, $3  }
0xc0: {  	[dreg:$0x1] =	wrdreg $0xFFFFFFFF  }
0xc1: {  	_ =	task.clear_ibuf [dreg:s6], $0x2FFFF;
	_ =	strace $0x9FFFFFFF  }
0xc2: {  	(tm) =	ssettm $0x7FFFFFFF  }
0xc3: {  	_ =	shalt  }
tec
execute0_lowered:
.L_overlay_start_1:
0x0: {  	(tag) =	ssettag $0x1  }
0x1: {  	s5 =	rddreg [dreg:$0x0]  }
0x2: {  	s0 =	srdreg.scid;
	s2 =	rddreg [dreg:$0x1]  }
0x3: {  	s3 =	simm.s32 $0x0;
	s10 =	simm.s32 $0x80;
	s11 =	simm.s32 $0x1400  }
0x4: {  	s12 =	simm.s32 $0x100;
	s4 =	sand.u32 $0x1, s0;
	s0 =	stileid.u32  }
0x5: {  	s13 =	simm.s32 $0x0;
	[smem:$0x7FF] =	sst s3;
	s7 =	smul.u32 $0x500, s0  }
0x6: {  	s1 =	sshll.u32 s4, $0x4;
	s8 =	sshll.u32 s4, $0x7;
	s9 =	smul.u32 $0xA00, s0  }
0x7: {  	s4 =	ssub.s32 $0x2, s4;
	s6 =	sor.u32 s0, s1;
	s1 =	rddreg [dreg:$0x2]  }
0x8: {  	_ =	strace $0x80000047;
	s31 =	sshrl.u32 s4, $0x1;
	s6 =	smul.u32 $0x280, s6  }
0x9: {  	s7 =	sor.u32 s8, s7;
	s9 =	sshrl.u32 s9, $0x2;
	s8 =	ssub.s32 s4, s31  }
0xa: {  	s7 =	sshrl.u32 s7, $0x3;
	s4 =	sadd.s32 s9, s2;
	s6 =	sadd.s32 s6, s5  }
0xb: {  	s9 =	simm.s32 $0x1;
	s7 =	sadd.s32 s7, s5;
	s5 =	sadd.s32 $0x2800, s6  }
0xc: {  	v0 =	vimm.f32 $1.000000000e+00;
	v1 =	vimm.f32 $0.0e+00;
	s6 =	sadd.s32 $0x7800, s7;
	s7 =	smax.u32 s8, $0x1;
	s8 =	simm.s32 $0x1480  }
.LBB2_1:
0xd: {  	[tilespmem:$0x1400] =	vst v0  }
0xe: {  	[tilespmem:$0x1410] =	vst v0  }
0xf: {  	[tilespmem:$0x1420] =	vst v0  }
0x10: {  	[tilespmem:$0x1430] =	vst v0  }
0x11: {  	[tilespmem:$0x1440] =	vst v0  }
0x12: {  	[tilespmem:$0x1450] =	vst v0  }
0x13: {  	[tilespmem:$0x1460] =	vst v0  }
0x14: {  	[tilespmem:$0x1470] =	vst v0  }
0x15: {  	[tilespmem:$0x1480] =	vst v1  }
0x16: {  	[tilespmem:$0x1490] =	vst v1  }
0x17: {  	[tilespmem:$0x14A0] =	vst v1  }
0x18: {  	[tilespmem:$0x14B0] =	vst v1  }
0x19: {  	[tilespmem:$0x14C0] =	vst v1  }
0x1a: {  	[tilespmem:$0x14D0] =	vst v1  }
0x1b: {  	[tilespmem:$0x14E0] =	vst v1  }
0x1c: {  	[tilespmem:$0x14F0] =	vst v1  }
0x1d: {  	[tilespmem:$0x1500] =	vst v1  }
0x1e: {  	[tilespmem:$0x1510] =	vst v1  }
0x1f: {  	[tilespmem:$0x1520] =	vst v1  }
0x20: {  	[tilespmem:$0x1530] =	vst v1  }
0x21: {  	[tilespmem:$0x1540] =	vst v1  }
0x22: {  	[tilespmem:$0x1550] =	vst v1  }
0x23: {  	[tilespmem:$0x1560] =	vst v1  }
0x24: {  	[tilespmem:$0x1570] =	vst v1  }
0x25: {  	[tilespmem:$0x1580] =	vst v1  }
0x26: {  	[tilespmem:$0x1590] =	vst v1  }
0x27: {  	[tilespmem:$0x15A0] =	vst v1  }
0x28: {  	[tilespmem:$0x15B0] =	vst v1  }
0x29: {  	[tilespmem:$0x15C0] =	vst v1  }
0x2a: {  	[tilespmem:$0x15D0] =	vst v1  }
0x2b: {  	[tilespmem:$0x15E0] =	vst v1  }
0x2c: {  	[tilespmem:$0x15F0] =	vst v1  }
0x2d: {  	[tilespmem:$0x1600] =	vst v1  }
0x2e: {  	[tilespmem:$0x1610] =	vst v1  }
0x2f: {  	[tilespmem:$0x1620] =	vst v1  }
0x30: {  	[tilespmem:$0x1630] =	vst v1  }
0x31: {  	[tilespmem:$0x1640] =	vst v1  }
0x32: {  	[tilespmem:$0x1650] =	vst v1  }
0x33: {  	[tilespmem:$0x1660] =	vst v1  }
0x34: {  	[tilespmem:$0x1670] =	vst v1  }
0x35: {  	[tilespmem:$0x1680] =	vst v1  }
0x36: {  	[tilespmem:$0x1690] =	vst v1  }
0x37: {  	[tilespmem:$0x16A0] =	vst v1  }
0x38: {  	[tilespmem:$0x16B0] =	vst v1  }
0x39: {  	[tilespmem:$0x16C0] =	vst v1  }
0x3a: {  	[tilespmem:$0x16D0] =	vst v1  }
0x3b: {  	[tilespmem:$0x16E0] =	vst v1  }
0x3c: {  	[tilespmem:$0x16F0] =	vst v1  }
0x3d: {  	[spmem:s4] =	stream.linear.scatter [tilespmem:s8], [sflag:$0x1], $0x280, $0x38;
	[tilespmem:$0x1980] =	vst v63  }
0x3e: {  	_ =	swait.ge [sflag:s9], $0x280  }
0x3f: {  	[sflag:s9] =	ssyncset.done $0x0  }
0x40: {  	[sflag:s9] =	ssyncadd.s32 $0xFFFFFD80  }
0x41: {  	[tilespmem:s3], [sflag:$0x1] =	stream.linear.gather [hbm4b:s5+s3], $0x1400, $0x38;
	[tilespmem:$0x1980] =	vst v63  }
0x42: {  	_ =	swait.ge [sflag:s9], $0x1400  }
0x43: {  	[sflag:s9] =	ssyncset.done $0x0  }
0x44: {  	[sflag:s9] =	ssyncadd.s32 $0xFFFFEC00  }
0x45: {  	[bflag:$0x0] =	sbarrier.arrive $0xFFFF  }
0x46: {  	_ =	sdelay $0x7ff  }
0x47: {  	_ =	sdelay $0x36b  }
0x48: {  	s14 =	simm.s32 $0x0;
	[bflag:$0x0] =	sbarrier.arrive $0xFFFF  }
0x49: {  	[spmem:s2] =	stream.indirect.scatter.add.f32 [tilespmem:s11], [sflag:$0x1], $0x1, s14, s10, $0xb8;
	[tilespmem:$0x1980] =	vst v63  }
0x4a: {  	_ =	swait.ge [sflag:s9], $0x80  }
0x4b: {  	s14 =	simm.s32 $0x200;
	[sflag:s9] =	ssyncset.done $0x0  }
.LBB2_2:
0x4c: {  	s15 =	sshra.s32 s14, $0x2;
	[sflag:s9] =	ssyncadd.s32 $0xFFFFFF80;
	p0 =	sne.s32 s14, $0x4E00  }
0x4d: {  	[spmem:s2] =	stream.indirect.scatter.add.f32 [tilespmem:s11], [sflag:$0x1], $0x1, s15, s10, $0xb8;
	[tilespmem:$0x1980] =	vst v63  }
.Ltmp0:
0x4e: {  	_ = 	snop;
	(pc) =	sbr.rel @p0 .LBB2_2-.Ltmp0, $4  }
0x4f: {  	_ = 	snop  }
0x50: {  	s14 =	sadd.s32 $0x200, s14  }
0x51: {  	_ =	swait.ge [sflag:s9], $0x80  }
0x52: {  	[sflag:s9] =	ssyncset.done $0x0  }
0x53: {  	[sflag:s9] =	ssyncadd.s32 $0xFFFFFF80  }
0x54: {  	[bflag:$0x0] =	sbarrier.arrive $0xFFFF  }
0x55: {  	_ =	sdelay $0x7ff  }
0x56: {  	_ =	sdelay $0x36b  }
0x57: {  	[bflag:$0x0] =	sbarrier.arrive $0xFFFF  }
0x58: {  	[tilespmem:s8], [sflag:$0x1] =	stream.linear.gather [spmem:s4], $0x280, $0x38;
	[tilespmem:$0x1980] =	vst v63  }
0x59: {  	s13 =	sadd.s32 $0x1, s13;
	_ =	swait.ge [sflag:s9], $0x280  }
0x5a: {  	p0 =	sne.s32 s13, s7;
	[sflag:s9] =	ssyncset.done $0x0  }
.Ltmp1:
0x5b: {  	[sflag:s9] =	ssyncadd.s32 $0xFFFFFD80;
	(pc) =	sbr.rel @p0 .LBB2_1-.Ltmp1, $4  }
0x5c: {  	[hbm4b:s6+s10] =	stream.strided.scatter [tilespmem:s8], [sflag:$0x1], $0x280, s12, s10, $0x38;
	[tilespmem:$0x1980] =	vst v63  }
0x5d: {  	_ =	swait.ge [sflag:s9], $0x280  }
0x5e: {  	[sflag:s9] =	ssyncset.done $0x0  }
0x5f: {  	[sflag:s9] =	ssyncadd.s32 $0xFFFFFD80  }
0x60: {  	_ =	sfence.sel $0x180000  }
0x61: {  	[bflag:$0x0] =	sbarrier.arrive $0xFFFF  }
0x62: {  	p0 =	sne.s32 s0, $0x0;
	_ =	strace $0x90000047  }
0x63: {  	s0 =	sadd.s32 @!p0 $0x100000, s1;
	[bflag:$0x2] =	sbarrier.arrive $0xFFFF  }
0x64: {  	[sflag:s0] =	ssyncadd.tile.s32 @!p0 $0x1;
	_ =	shalt  }
.Lfunc_end2:
_tile_overlayer_lowered:
.L_overlay_start_2:
0x65: {  	(tag) =	ssettag $0x2  }
0x66: {  	s0 =	rddreg [dreg:$0x0];
	s2 =	stileid.u32  }
0x67: {  	s1 =	rddreg [dreg:$0x1];
	p0 =	sne.s32 s2, $0x0  }
0x68: {  	s3 =	rddreg [dreg:$0x2];
	[bflag:$0x3] =	sbarrier.arrive $0xFFFF;
	s2 =	simm.s32 @!p0 $0x1C01  }
0x69: {  	[timem:s3], [sflag:s2] =	dma.local @!p0 [hbm:s0], s1  }
0x6a: {  	s0 =	simm.s32 @!p0 $0x1  }
0x6b: {  	_ =	swait.ge @!p0 [sflag:s0], s1  }
0x6c: {  	s1 =	ssub.s32 @!p0 $0x0, s1;
	[sflag:s0] =	ssyncset.done @!p0 $0x0  }
0x6d: {  	[sflag:s0] =	ssyncadd.s32 @!p0 s1  }
0x6e: {  	[bflag:$0x3] =	sbarrier.arrive $0xFFFF  }
0x6f: {  	_ =	shalt  }

// kernel: kernel.14.cloned.1.call-start
scs
__scs_entry_jumppad:
0x0: {  	(pc) =	sbr.rel $0x88, $3  }
0x1: {  	(tag) =	ssettag $0x0;
	lr =	simm.s32 $0x1  }
0x2: {  	[smem:$0x3F95] =	sst lr;
	_ =	strace $0xD0000000  }
0x3: {  	_ = 	snop  }
0x4: {  	_ = 	snop  }
0x5: {  	_ = 	snop  }
0x6: {  	_ = 	snop  }
0x7: {  	_ = 	snop  }
__scs_overlays_trampoline_lowered:
0x8: {  	[smem:$0x3FA4] =	sst s0  }
0x9: {  	[smem:$0x3FA5] =	sst s1  }
0xa: {  	[smem:$0x3FA6] =	sst s2  }
0xb: {  	[smem:$0x3FA7] =	sst s3  }
0xc: {  	[smem:$0x3FA8] =	sst s4  }
0xd: {  	[smem:$0x3FA9] =	sst s5  }
0xe: {  	[smem:$0x3FAA] =	sst s6  }
0xf: {  	[smem:$0x3FAB] =	sst s7  }
0x10: {  	[smem:$0x3FAC] =	sst s8  }
0x11: {  	[smem:$0x3FAD] =	sst s9;
	s0 =	simm.s32 @!p0 $0x0  }
0x12: {  	s1 =	sld [smem:$0x3F93];
	s0 =	simm.s32 @p0 $0x1  }
0x13: {  	[smem:$0x3FAE] =	sst s0;
	s0 =	simm.s32 @!p1 $0x0  }
0x14: {  	s2 =	sld [smem:$0x3F92];
	s0 =	simm.s32 @p1 $0x1  }
0x15: {  	[smem:$0x3FAF] =	sst s0;
	s0 =	simm.s32 @!p2 $0x0  }
0x16: {  	s3 =	sld [smem:$0x3FDB];
	s0 =	simm.s32 @p2 $0x1  }
0x17: {  	s4 =	simm.s32 $0x1BF5;
	[smem:$0x3FB1] =	sst s0  }
0x18: {  	s0 =	sld [smem:$0x3F94];
	_ =	swait.ge [sflag:s4], $0x0  }
0x19: {  	s7 =	sld [smem:$0x3F95]  }
0x1a: {  	s8 =	sadd.s32 $0xFFFFE003, lr  }
0x1b: {  	s9 =	sadd.s32 $0xFFFFFEF7, lr;
	s5 =	simm.s32 $0xFFFFFFFF;
	p2 =	slt.u32 s8, $0xFFFFF086  }
0x1c: {  	p1 =	slt.u32 s9, $0xF7A;
	s5 =	simm.s32 @!p2 $0x0  }
0x1d: {  	s5 =	simm.s32 @p1 $0x1;
	p0 =	seq.s32 s7, s2  }
0x1e: {  	s7 =	smul.u32 @!p0 $0xF7A, s2;
	p2 =	seq.s32 @!p0 s5, $0x0  }
0x1f: {  	s9 =	smul.u32 $0xF7A, s1;
	s8 =	simm.s32 @!p0 $0x1BF5;
	p2 =	por !p2, p0  }
0x20: {  	[sflag:s8] =	ssyncset.s32 @!p0 $0xFFFFF086;
	s6 =	sadd.s32 @!p0 s3, s7;
	s7 =	simm.s32 @!p0 $0x108  }
0x21: {  	s3 =	sadd.s32 s3, s9;
	s6 =	sadd.s32 @!p0 $0x88, s6;
	s7 =	simm.s32 @p2 $0x1082  }
0x22: {  	[simem:s7], [sflag:s8] =	dma.local @!p0 [hbm:s6], $0xF7A  }
0x23: {  	s9 =	sor.u32 $0xD0000000, s2;
	s6 =	simm.s32 $0x108;
	_ =	swait.ge @!p0 [sflag:s8], $0x0  }
0x24: {  	s3 =	sadd.s32 $0x88, s3;
	s6 =	simm.s32 @!p1 $0x1082;
	[sflag:s4] =	ssyncset.s32 $0xFFFFF086  }
0x25: {  	[simem:s6], [sflag:s4] =	dma.local [hbm:s3], $0xF7A  }
0x26: {  	[smem:$0x3F95] =	sst s1;
	(tag) =	ssettag s2;
	_ =	strace s9  }
0x27: {  	s1 =	sld [smem:$0x3FA5]  }
0x28: {  	s2 =	sld [smem:$0x3FA6]  }
0x29: {  	s4 =	sld [smem:$0x3FA8]  }
0x2a: {  	p0 =	seq.s32 s5, $0x0;
	s5 =	sld [smem:$0x3FA9]  }
0x2b: {  	s6 =	sld [smem:$0x3FAA]  }
0x2c: {  	s7 =	sld [smem:$0x3FAB]  }
0x2d: {  	s3 =	simm.s32 $0x108;
	s8 =	sld [smem:$0x3FAC]  }
0x2e: {  	s3 =	simm.s32 @!p0 $0x1082;
	s9 =	sld [smem:$0x3FAD]  }
0x2f: {  	lr =	sadd.s32 s0, s3;
	s0 =	sld [smem:$0x3FA4]  }
0x30: {  	s3 =	sld [smem:$0x3FA7]  }
0x31: {  	[smem:$0x3FB0] =	sst s10  }
0x32: {  	s10 =	sld [smem:$0x3FAE];
	_ =	sdelay $0x3  }
0x33: {  	p0 =	seq.s32 s10, $0x1;
	s10 =	sld [smem:$0x3FB0];
	_ =	sdelay $0x3  }
0x34: {  	[smem:$0x3FB0] =	sst s10  }
0x35: {  	s10 =	sld [smem:$0x3FAF];
	_ =	sdelay $0x3  }
0x36: {  	p1 =	seq.s32 s10, $0x1;
	s10 =	sld [smem:$0x3FB0];
	_ =	sdelay $0x3  }
0x37: {  	[smem:$0x3FB0] =	sst s10  }
0x38: {  	s10 =	sld [smem:$0x3FB1]  }
0x39: {  	_ = 	snop;
	(pc) =	sbr.ind lr, $3  }
0x3a: {  	_ = 	snop  }
0x3b: {  	_ = 	snop  }
0x3c: {  	p2 =	seq.s32 s10, $0x1;
	s10 =	sld [smem:$0x3FB0]  }
0x3d: {  	_ =	shalt  }
0x3e: {  	_ =	shalt  }
0x3f: {  	_ =	shalt  }
0x40: {  	_ =	shalt  }
0x41: {  	_ =	shalt  }
0x42: {  	_ =	shalt  }
0x43: {  	_ =	shalt  }
0x44: {  	_ =	shalt  }
0x45: {  	_ =	shalt  }
0x46: {  	_ =	shalt  }
0x47: {  	_ =	shalt  }
0x48: {  	_ =	shalt  }
0x49: {  	_ =	shalt  }
0x4a: {  	_ =	shalt  }
0x4b: {  	_ =	shalt  }
0x4c: {  	_ =	shalt  }
0x4d: {  	_ =	shalt  }
0x4e: {  	_ =	shalt  }
0x4f: {  	_ =	shalt  }
0x50: {  	_ =	shalt  }
0x51: {  	_ =	shalt  }
0x52: {  	_ =	shalt  }
0x53: {  	_ =	shalt  }
0x54: {  	_ =	shalt  }
0x55: {  	_ =	shalt  }
0x56: {  	_ =	shalt  }
0x57: {  	_ =	shalt  }
0x58: {  	_ =	shalt  }
0x59: {  	_ =	shalt  }
0x5a: {  	_ =	shalt  }
0x5b: {  	_ =	shalt  }
0x5c: {  	_ =	shalt  }
0x5d: {  	_ =	shalt  }
0x5e: {  	_ =	shalt  }
0x5f: {  	_ =	shalt  }
0x60: {  	_ =	shalt  }
0x61: {  	_ =	shalt  }
0x62: {  	_ =	shalt  }
0x63: {  	_ =	shalt  }
0x64: {  	_ =	shalt  }
0x65: {  	_ =	shalt  }
0x66: {  	_ =	shalt  }
0x67: {  	_ =	shalt  }
0x68: {  	_ =	shalt  }
0x69: {  	_ =	shalt  }
0x6a: {  	_ =	shalt  }
0x6b: {  	_ =	shalt  }
0x6c: {  	_ =	shalt  }
0x6d: {  	_ =	shalt  }
0x6e: {  	_ =	shalt  }
0x6f: {  	_ =	shalt  }
0x70: {  	_ =	shalt  }
0x71: {  	_ =	shalt  }
0x72: {  	_ =	shalt  }
0x73: {  	_ =	shalt  }
0x74: {  	_ =	shalt  }
0x75: {  	_ =	shalt  }
0x76: {  	_ =	shalt  }
0x77: {  	_ =	shalt  }
0x78: {  	_ =	shalt  }
0x79: {  	_ =	shalt  }
0x7a: {  	_ =	shalt  }
0x7b: {  	_ =	shalt  }
0x7c: {  	_ =	shalt  }
0x7d: {  	_ =	shalt  }
0x7e: {  	_ =	shalt  }
0x7f: {  	_ =	shalt  }
0x80: {  	_ =	shalt  }
0x81: {  	_ =	shalt  }
0x82: {  	_ =	shalt  }
0x83: {  	_ =	shalt  }
0x84: {  	_ =	shalt  }
0x85: {  	_ =	shalt  }
0x86: {  	_ =	shalt  }
0x87: {  	_ =	shalt  }
.Lfunc_end0:
.L_simem_size_0:
called_computation.1_lowered:
.L_overlay_start_0:
0x88: {  	s2 =	sld [smem:$0x3FD9]  }
0x89: {  	s3 =	sld [smem:$0x3FFE];
	_ =	sdelay $0x1  }
0x8a: {  	s1 =	srdreg.scid  }
0x8b: {  	s0 =	sand.u32 $0x1, s1  }
0x8c: {  	s17 =	sshll.u32 s0, $0xA;
	s2 =	sadd.s32 s3, s2  }
0x8d: {  	s2 =	sadd.s32 s2, s17  }
0x8e: {  	[smem:$0x3FBC] =	sst s2  }
0x8f: {  	_ = 	snop  }
0x90: {  	s2 =	sld [smem:$0x3FD0];
	(tm) =	ssettm $0x1  }
0x91: {  	s18 =	sld [smem:$0x3FFB];
	_ =	sdelay $0x3  }
0x92: {  	_ =	strace s18  }
0x93: {  	s3 =	sld [smem:$0x3FFC];
	_ =	sdelay $0x3  }
0x94: {  	_ =	strace s3  }
0x95: {  	s3 =	sld [smem:$0x3FFD];
	_ =	sdelay $0x3  }
0x96: {  	_ =	strace s3  }
0x97: {  	_ =	strace $0x8FFFFFFF  }
0x98: {  	s19 =	sld [smem:$0x3FDB];
	_ =	sdelay $0x1  }
0x99: {  	s4 =	simm.s32 $_scs_section_size  }
0x9a: {  	s5 =	simm.s32 $_size__tile_overlayer_lowered;
	s6 =	simm.s32 $_tile_overlayer_lowered  }
0x9b: {  	s22 =	simm.s32 $0x1BFF;
	s21 =	sshll.u32 s6, $0x1;
	s3 =	sadd.s32 s4, s19  }
0x9c: {  	s7 =	simm.s32 $0x0;
	s20 =	sshll.u32 s5, $0x1;
	s5 =	sadd.s32 s21, s3  }
0x9d: {  	[timem:s7], [sflag:s22] =	dma.local [hbm:s5], s20  }
0x9e: {  	_ =	swait.ge [sflag:s22], s20  }
0x9f: {  	s4 =	ssub.s32 $0x0, s20;
	[sflag:s22] =	ssyncset.done $0x0  }
0xa0: {  	[sflag:s22] =	ssyncadd.s32 s4;
	_ =	sdelay $0x1  }
0xa1: {  	s23 =	simm.s32 $0x1B8B  }
0xa2: {  	_ =	swait.ge [sflag:s23], $0x1  }
0xa3: {  	[sflag:s23] =	ssyncset.done $0x0  }
0xa4: {  	s25 =	simm.s32 $0x1B8E;
	s24 =	sld [smem:$0x3FFE];
	[sflag:s23] =	ssyncadd.s32 $0xFFFFFFFF  }
0xa5: {  	s26 =	simm.s32 $execute0_lowered;
	[smem:$0x3FD2] =	sst s25  }
0xa6: {  	s5 =	sshll.u32 s26, $0x1;
	_ =	strace $0x80000049;
	[dreg:$0x1] =	wrdreg $0xFFFFFFFF  }
0xa7: {  	s28 =	simm.s32 $_size_execute0_lowered;
	s3 =	sadd.s32 s3, s5;
	[dreg:$0x0] =	wrdreg $0x0  }
0xa8: {  	s5 =	sshll.u32 s28, $0x1;
	[dreg:$0x2] =	wrdreg s3  }
0xa9: {  	[dreg:$0x3] =	wrdreg s5  }
0xaa: {  	[dreg:$0x4] =	wrdreg $0xC0  }
0xab: {  	_ =	task [dreg:s7], $0x5FFFF  }
0xac: {  	[dreg:$0x1] =	wrdreg $0xFFFFFFFF  }
0xad: {  	[dreg:$0x0] =	wrdreg $0x60  }
0xae: {  	[dreg:$0x2] =	wrdreg s24  }
0xaf: {  	[dreg:$0x3] =	wrdreg s2  }
0xb0: {  	[dreg:$0x4] =	wrdreg $0x90000  }
0xb1: {  	[dreg:$0x5] =	wrdreg $0x9  }
0xb2: {  	_ =	task.clear_ibuf [dreg:s7], $0x6FFFF;
	_ =	strace $0x90000049  }
0xb3: {  	s29 =	simm.s32 $0x9;
	_ =	strace $0x8000004B  }
0xb4: {  	_ =	swait.ge [sflag:s29], $0x1  }
0xb5: {  	[sflag:s29] =	ssyncadd.s32 $0xFFFFFFFF  }
0xb6: {  	_ =	strace $0x9000004B  }
0xb7: {  	_ =	sfence  }
0xb8: {  	s30 =	sld [smem:$0x0];
	_ =	sdelay $0x2  }
0xb9: {  	s31 =	sshll.u32 s1, $0xD;
	s1 =	sshrl.u32 s1, $0x2  }
0xba: {  	s3 =	sand.u32 $0x4000, s31;
	s1 =	sadd.s32 s1, s30  }
0xbb: {  	s0 =	sor.u32 s3, s0;
	s1 =	sshll.u32 s1, $0x11  }
0xbc: {  	s0 =	sor.u32 s1, s0  }
0xbd: {  	s0 =	sadd.s32 $0x8F2B, s0  }
0xbe: {  	[sflag:s0] =	ssyncadd.remote.s32 $0x1  }
0xbf: {  	_ =	sfence.sel $0xFFFF  }
0xc0: {  	[dreg:$0x0] =	wrdreg $0xFFFFFFFF;
	(pc) =	sbr.abs _section_cstart, $3  }
0xc1: {  	[dreg:$0x1] =	wrdreg $0xFFFFFFFF  }
0xc2: {  	_ =	task.clear_ibuf [dreg:s7], $0x2FFFF;
	_ =	strace $0x9FFFFFFF  }
0xc3: {  	(tm) =	ssettm $0x7FFFFFFF  }
tec
execute0_lowered:
.L_overlay_start_1:
0x0: {  	(tag) =	ssettag $0x1  }
0x1: {  	s1 =	stileid.u32  }
0x2: {  	s5 =	rddreg [dreg:$0x0];
	s9 =	smul.u32 $0x2800, s1  }
0x3: {  	s10 =	rddreg [dreg:$0x1];
	s11 =	smul.u32 $0x280, s1  }
0x4: {  	s6 =	srdreg.scid;
	s12 =	smul.u32 $0x50000, s1  }
0x5: {  	s2 =	rddreg [dreg:$0x2];
	s6 =	sand.u32 $0x1, s6;
	s26 =	smul.u32 $0x14000, s1  }
0x6: {  	s0 =	rddreg [dreg:$0x3];
	s3 =	simm.s32 $0x0;
	s14 =	smul.u32 $0x5000, s6  }
0x7: {  	[smem:$0x7FF] =	sst s3;
	s4 =	sadd.s32 $0xD200, s5;
	s24 =	smul.u32 $0x50000, s6  }
0x8: {  	s8 =	ssub.s32 $0x2, s6;
	s16 =	smul.u32 $0x280000, s6;
	s6 =	sshllo.u32 s6, $0x1  }
0x9: {  	s15 =	sadd.s32 $0xAD200, s5;
	s31 =	sshll.u32 s1, $0x6;
	s29 =	smul.u32 $0x2800, s6  }
0xa: {  	_ =	strace $0x8000004A;
	s7 =	sshrl.u32 s9, $0x3;
	s18 =	smul.u32 $0x28000, s6  }
0xb: {  	s13 =	sshrl.u32 s8, $0x1;
	s25 =	sshrl.u32 s12, $0x2;
	s19 =	smul.u32 $0x140000, s6  }
0xc: {  	s7 =	sadd.s32 s7, s5;
	s13 =	ssub.s32 s8, s13;
	s14 =	sadd.s32 s11, s14  }
0xd: {  	s17 =	sadd.s32 s25, s2;
	s8 =	sadd.s32 s9, s24;
	s16 =	sadd.s32 s26, s16  }
0xe: {  	s5 =	sadd.s32 $0x8200, s7;
	s28 =	sshll.u32 s14, $0x4;
	s8 =	sshrl.u32 s8, $0x3  }
0xf: {  	s16 =	sshrl.u32 s16, $0x3;
	s11 =	sadd.s32 s11, s29;
	s9 =	sadd.s32 s9, s18  }
0x10: {  	s12 =	sadd.s32 s26, s19;
	s14 =	simm.s32 $0x1;
	s18 =	simm.s32 $0x5000  }
0x11: {  	s19 =	simm.s32 $0x0;
	s6 =	sadd.s32 s4, s28;
	s7 =	sadd.s32 s10, s8  }
0x12: {  	s8 =	sadd.s32 s15, s16;
	s11 =	sshll.u32 s11, $0x4;
	s30 =	sshrl.u32 s9, $0x3  }
0x13: {  	s12 =	sshrl.u32 s12, $0x3;
	s16 =	sshrl.u32 s17, $0x3;
	s17 =	simm.s32 $0x80  }
0x14: {  	s9 =	sadd.s32 s4, s11;
	s10 =	sadd.s32 s10, s30;
	s11 =	sadd.s32 s15, s12  }
0x15: {  	s12 =	smax.u32 s13, $0x1;
	s13 =	simm.s32 $0x2800;
	s15 =	sor.u32 $0x1C01, s31  }
.LBB2_1:
0x16: {  	[tilespmem:s13], [sflag:$0x1] =	stream.linear.gather [hbm4b:s5+s3], $0x2780, $0x38;
	[tilespmem:$0x1D000] =	vst v63  }
0x17: {  	_ =	swait.ge [sflag:s14], $0x2780  }
0x18: {  	[sflag:s14] =	ssyncset.done $0x0  }
0x19: {  	[sflag:s14] =	ssyncadd.s32 $0xFFFFD880  }
0x1a: {  	[spmem:s16], [sflag:s15] =	dma.local [hbm:s6], $0x2800  }
0x1b: {  	_ =	swait.ge [sflag:s14], $0x2800  }
0x1c: {  	[sflag:s14] =	ssyncset.done $0x0  }
0x1d: {  	[sflag:s14] =	ssyncadd.s32 $0xFFFFD800  }
0x1e: {  	[tilespmem:s3], [sflag:$0x1] =	stream.linear.gather [hbm4b:s7+s3], $0x2780, $0x38;
	[tilespmem:$0x1D000] =	vst v63  }
0x1f: {  	_ =	swait.ge [sflag:s14], $0x2780  }
0x20: {  	[sflag:s14] =	ssyncset.done $0x0  }
0x21: {  	[sflag:s14] =	ssyncadd.s32 $0xFFFFD880  }
0x22: {  	[bflag:$0x0] =	sbarrier.arrive $0xFFFF  }
0x23: {  	_ =	sdelay $0x7ff  }
0x24: {  	_ =	sdelay $0x36b  }
0x25: {  	s20 =	simm.s32 $0x0;
	[bflag:$0x0] =	sbarrier.arrive $0xFFFF  }
0x26: {  	[tilespmem:s18], [sflag:$0x1] =	stream.indirect.gather [hbm4b:s4+s17], $0x80, s20, s17, $0xb8;
	[tilespmem:$0x1D000] =	vst v63  }
0x27: {  	_ =	swait.ge [sflag:s14], $0x4000  }
0x28: {  	[sflag:s14] =	ssyncset.done $0x0  }
0x29: {  	s31 =	simm.s32 $0x2800;
	[sflag:s14] =	ssyncadd.s32 $0xFFFFC000  }
0x2a: {  	[spmem:s2] =	stream.indirect.scatter.add.f32 [tilespmem:s18], [sflag:$0x1], $0x80, s31, s17, $0xb8;
	[tilespmem:$0x1D000] =	vst v63  }
0x2b: {  	_ =	swait.ge [sflag:s14], $0x4000  }
0x2c: {  	s21 =	simm.s32 $0x400;
	s20 =	simm.s32 $0x200;
	[sflag:s14] =	ssyncset.done $0x0  }
.LBB2_2:
0x2d: {  	s22 =	sshra.s32 s20, $0x2  }
0x2e: {  	[sflag:s14] =	ssyncadd.s32 $0xFFFFC000;
	s20 =	smov.u32 s21;
	s23 =	sadd.s32 $0x200, s21  }
0x2f: {  	[tilespmem:s18], [sflag:$0x1] =	stream.indirect.gather [hbm4b:s4+s17], $0x80, s22, s17, $0xb8;
	[tilespmem:$0x1D000] =	vst v63  }
0x30: {  	p0 =	sne.s32 s21, $0x9C00;
	_ =	swait.ge [sflag:s14], $0x4000  }
.Ltmp0:
0x31: {  	[sflag:s14] =	ssyncset.done $0x0;
	(pc) =	sbr.rel @p0 .LBB2_2-.Ltmp0, $4  }
0x32: {  	s21 =	sadd.s32 $0x2800, s22;
	[sflag:s14] =	ssyncadd.s32 $0xFFFFC000  }
0x33: {  	[spmem:s2] =	stream.indirect.scatter.add.f32 [tilespmem:s18], [sflag:$0x1], $0x80, s21, s17, $0xb8;
	[tilespmem:$0x1D000] =	vst v63  }
0x34: {  	_ =	swait.ge [sflag:s14], $0x4000  }
0x35: {  	s21 =	smov.u32 s23;
	[sflag:s14] =	ssyncset.done $0x0  }
0x36: {  	s20 =	sshra.s32 s20, $0x2;
	[sflag:s14] =	ssyncadd.s32 $0xFFFFC000  }
0x37: {  	[tilespmem:s18], [sflag:$0x1] =	stream.indirect.gather [hbm4b:s4+s17], $0x80, s20, s17, $0xb8;
	[tilespmem:$0x1D000] =	vst v63  }
0x38: {  	_ =	swait.ge [sflag:s14], $0x4000  }
0x39: {  	[sflag:s14] =	ssyncset.done $0x0  }
0x3a: {  	s20 =	sadd.s32 $0x2800, s20;
	[sflag:s14] =	ssyncadd.s32 $0xFFFFC000  }
0x3b: {  	[spmem:s2] =	stream.indirect.scatter.add.f32 [tilespmem:s18], [sflag:$0x1], $0x80, s20, s17, $0xb8;
	[tilespmem:$0x1D000] =	vst v63  }
0x3c: {  	_ =	swait.ge [sflag:s14], $0x4000  }
0x3d: {  	[sflag:s14] =	ssyncset.done $0x0  }
0x3e: {  	[sflag:s14] =	ssyncadd.s32 $0xFFFFC000  }
0x3f: {  	[bflag:$0x0] =	sbarrier.arrive $0xFFFF  }
0x40: {  	_ =	sdelay $0x7ff  }
0x41: {  	_ =	sdelay $0x36b  }
0x42: {  	[bflag:$0x0] =	sbarrier.arrive $0xFFFF  }
0x43: {  	[hbm:s8], [sflag:s15] =	dma.local [spmem:s16], $0x2800  }
0x44: {  	_ =	swait.ge [sflag:s14], $0x2800  }
0x45: {  	[sflag:s14] =	ssyncset.done $0x0  }
0x46: {  	[sflag:s14] =	ssyncadd.s32 $0xFFFFD800  }
0x47: {  	[bflag:$0x0] =	sbarrier.arrive $0xFFFF  }
0x48: {  	[spmem:s16], [sflag:s15] =	dma.local [hbm:s9], $0x2800  }
0x49: {  	_ =	swait.ge [sflag:s14], $0x2800  }
0x4a: {  	[sflag:s14] =	ssyncset.done $0x0  }
0x4b: {  	s29 =	simm.s32 $0x0;
	[sflag:s14] =	ssyncadd.s32 $0xFFFFD800  }
0x4c: {  	[tilespmem:s29], [sflag:$0x1] =	stream.linear.gather [hbm4b:s10+s29], $0x2780, $0x38;
	[tilespmem:$0x1D000] =	vst v63  }
0x4d: {  	_ =	swait.ge [sflag:s14], $0x2780  }
0x4e: {  	[sflag:s14] =	ssyncset.done $0x0  }
0x4f: {  	[sflag:s14] =	ssyncadd.s32 $0xFFFFD880  }
0x50: {  	[bflag:$0x0] =	sbarrier.arrive $0xFFFF  }
0x51: {  	_ =	sdelay $0x7ff  }
0x52: {  	_ =	sdelay $0x36b  }
0x53: {  	s30 =	simm.s32 $0x0;
	[bflag:$0x0] =	sbarrier.arrive $0xFFFF  }
0x54: {  	[tilespmem:s18], [sflag:$0x1] =	stream.indirect.gather [hbm4b:s4+s17], $0x80, s30, s17, $0xb8;
	[tilespmem:$0x1D000] =	vst v63  }
0x55: {  	_ =	swait.ge [sflag:s14], $0x4000  }
0x56: {  	[sflag:s14] =	ssyncset.done $0x0  }
0x57: {  	s31 =	simm.s32 $0x2800;
	[sflag:s14] =	ssyncadd.s32 $0xFFFFC000  }
0x58: {  	[spmem:s2] =	stream.indirect.scatter.add.f32 [tilespmem:s18], [sflag:$0x1], $0x80, s31, s17, $0xb8;
	[tilespmem:$0x1D000] =	vst v63  }
0x59: {  	_ =	swait.ge [sflag:s14], $0x4000  }
0x5a: {  	s21 =	simm.s32 $0x400;
	s20 =	simm.s32 $0x200;
	[sflag:s14] =	ssyncset.done $0x0  }
.LBB2_4:
0x5b: {  	s22 =	sshra.s32 s20, $0x2  }
0x5c: {  	[sflag:s14] =	ssyncadd.s32 $0xFFFFC000;
	s20 =	smov.u32 s21;
	s23 =	sadd.s32 $0x200, s21  }
0x5d: {  	[tilespmem:s18], [sflag:$0x1] =	stream.indirect.gather [hbm4b:s4+s17], $0x80, s22, s17, $0xb8;
	[tilespmem:$0x1D000] =	vst v63  }
0x5e: {  	p0 =	sne.s32 s21, $0x9C00;
	_ =	swait.ge [sflag:s14], $0x4000  }
.Ltmp1:
0x5f: {  	[sflag:s14] =	ssyncset.done $0x0;
	(pc) =	sbr.rel @p0 .LBB2_4-.Ltmp1, $4  }
0x60: {  	s21 =	sadd.s32 $0x2800, s22;
	[sflag:s14] =	ssyncadd.s32 $0xFFFFC000  }
0x61: {  	[spmem:s2] =	stream.indirect.scatter.add.f32 [tilespmem:s18], [sflag:$0x1], $0x80, s21, s17, $0xb8;
	[tilespmem:$0x1D000] =	vst v63  }
0x62: {  	_ =	swait.ge [sflag:s14], $0x4000  }
0x63: {  	s21 =	smov.u32 s23;
	[sflag:s14] =	ssyncset.done $0x0  }
0x64: {  	s20 =	sshra.s32 s20, $0x2;
	[sflag:s14] =	ssyncadd.s32 $0xFFFFC000  }
0x65: {  	[tilespmem:s18], [sflag:$0x1] =	stream.indirect.gather [hbm4b:s4+s17], $0x80, s20, s17, $0xb8;
	[tilespmem:$0x1D000] =	vst v63  }
0x66: {  	_ =	swait.ge [sflag:s14], $0x4000  }
0x67: {  	[sflag:s14] =	ssyncset.done $0x0  }
0x68: {  	s20 =	sadd.s32 $0x2800, s20;
	[sflag:s14] =	ssyncadd.s32 $0xFFFFC000  }
0x69: {  	[spmem:s2] =	stream.indirect.scatter.add.f32 [tilespmem:s18], [sflag:$0x1], $0x80, s20, s17, $0xb8;
	[tilespmem:$0x1D000] =	vst v63  }
0x6a: {  	_ =	swait.ge [sflag:s14], $0x4000  }
0x6b: {  	[sflag:s14] =	ssyncset.done $0x0  }
0x6c: {  	[sflag:s14] =	ssyncadd.s32 $0xFFFFC000  }
0x6d: {  	[bflag:$0x0] =	sbarrier.arrive $0xFFFF  }
0x6e: {  	s19 =	sadd.s32 $0x1, s19;
	_ =	sdelay $0x7ff  }
0x6f: {  	p0 =	sne.s32 s19, s12;
	_ =	sdelay $0x36b  }
.Ltmp2:
0x70: {  	[bflag:$0x0] =	sbarrier.arrive $0xFFFF;
	(pc) =	sbr.rel @p0 .LBB2_1-.Ltmp2, $4  }
0x71: {  	[hbm:s11], [sflag:s15] =	dma.local [spmem:s16], $0x2800  }
0x72: {  	_ =	swait.ge [sflag:s14], $0x2800  }
0x73: {  	[sflag:s14] =	ssyncset.done $0x0  }
0x74: {  	[sflag:s14] =	ssyncadd.s32 $0xFFFFD800  }
0x75: {  	_ =	sfence.sel $0x180000  }
0x76: {  	[bflag:$0x0] =	sbarrier.arrive $0xFFFF  }
0x77: {  	p0 =	sne.s32 s1, $0x0;
	_ =	strace $0x9000004A  }
0x78: {  	s0 =	sadd.s32 @!p0 $0x100000, s0;
	[bflag:$0x2] =	sbarrier.arrive $0xFFFF  }
0x79: {  	[sflag:s0] =	ssyncadd.tile.s32 @!p0 $0x1;
	_ =	shalt  }
.Lfunc_end2:
_tile_overlayer_lowered:
.L_overlay_start_2:
0x7a: {  	(tag) =	ssettag $0x2  }
0x7b: {  	s0 =	rddreg [dreg:$0x0];
	s2 =	stileid.u32  }
0x7c: {  	s1 =	rddreg [dreg:$0x1];
	p0 =	sne.s32 s2, $0x0  }
0x7d: {  	s3 =	rddreg [dreg:$0x2];
	[bflag:$0x3] =	sbarrier.arrive $0xFFFF;
	s2 =	simm.s32 @!p0 $0x1C01  }
0x7e: {  	[timem:s3], [sflag:s2] =	dma.local @!p0 [hbm:s0], s1  }
0x7f: {  	s0 =	simm.s32 @!p0 $0x1  }
0x80: {  	_ =	swait.ge @!p0 [sflag:s0], s1  }
0x81: {  	s1 =	ssub.s32 @!p0 $0x0, s1;
	[sflag:s0] =	ssyncset.done @!p0 $0x0  }
0x82: {  	[sflag:s0] =	ssyncadd.s32 @!p0 s1  }
0x83: {  	[bflag:$0x3] =	sbarrier.arrive $0xFFFF  }
0x84: {  	_ =	shalt  }

// kernel: kernel.17.cloned.1.call-start
scs
__scs_entry_jumppad:
0x0: {  	(pc) =	sbr.rel $0x88, $3  }
0x1: {  	(tag) =	ssettag $0x0;
	lr =	simm.s32 $0x1  }
0x2: {  	[smem:$0x3F95] =	sst lr;
	_ =	strace $0xD0000000  }
0x3: {  	_ = 	snop  }
0x4: {  	_ = 	snop  }
0x5: {  	_ = 	snop  }
0x6: {  	_ = 	snop  }
0x7: {  	_ = 	snop  }
__scs_overlays_trampoline_lowered:
0x8: {  	[smem:$0x3FA4] =	sst s0  }
0x9: {  	[smem:$0x3FA5] =	sst s1  }
0xa: {  	[smem:$0x3FA6] =	sst s2  }
0xb: {  	[smem:$0x3FA7] =	sst s3  }
0xc: {  	[smem:$0x3FA8] =	sst s4  }
0xd: {  	[smem:$0x3FA9] =	sst s5  }
0xe: {  	[smem:$0x3FAA] =	sst s6  }
0xf: {  	[smem:$0x3FAB] =	sst s7  }
0x10: {  	[smem:$0x3FAC] =	sst s8  }
0x11: {  	[smem:$0x3FAD] =	sst s9;
	s0 =	simm.s32 @!p0 $0x0  }
0x12: {  	s1 =	sld [smem:$0x3F93];
	s0 =	simm.s32 @p0 $0x1  }
0x13: {  	[smem:$0x3FAE] =	sst s0;
	s0 =	simm.s32 @!p1 $0x0  }
0x14: {  	s2 =	sld [smem:$0x3F92];
	s0 =	simm.s32 @p1 $0x1  }
0x15: {  	[smem:$0x3FAF] =	sst s0;
	s0 =	simm.s32 @!p2 $0x0  }
0x16: {  	s3 =	sld [smem:$0x3FDB];
	s0 =	simm.s32 @p2 $0x1  }
0x17: {  	s4 =	simm.s32 $0x1BF5;
	[smem:$0x3FB1] =	sst s0  }
0x18: {  	s0 =	sld [smem:$0x3F94];
	_ =	swait.ge [sflag:s4], $0x0  }
0x19: {  	s7 =	sld [smem:$0x3F95]  }
0x1a: {  	s8 =	sadd.s32 $0xFFFFE003, lr  }
0x1b: {  	s9 =	sadd.s32 $0xFFFFFEF7, lr;
	s5 =	simm.s32 $0xFFFFFFFF;
	p2 =	slt.u32 s8, $0xFFFFF086  }
0x1c: {  	p1 =	slt.u32 s9, $0xF7A;
	s5 =	simm.s32 @!p2 $0x0  }
0x1d: {  	s5 =	simm.s32 @p1 $0x1;
	p0 =	seq.s32 s7, s2  }
0x1e: {  	s7 =	smul.u32 @!p0 $0xF7A, s2;
	p2 =	seq.s32 @!p0 s5, $0x0  }
0x1f: {  	s9 =	smul.u32 $0xF7A, s1;
	s8 =	simm.s32 @!p0 $0x1BF5;
	p2 =	por !p2, p0  }
0x20: {  	[sflag:s8] =	ssyncset.s32 @!p0 $0xFFFFF086;
	s6 =	sadd.s32 @!p0 s3, s7;
	s7 =	simm.s32 @!p0 $0x108  }
0x21: {  	s3 =	sadd.s32 s3, s9;
	s6 =	sadd.s32 @!p0 $0x88, s6;
	s7 =	simm.s32 @p2 $0x1082  }
0x22: {  	[simem:s7], [sflag:s8] =	dma.local @!p0 [hbm:s6], $0xF7A  }
0x23: {  	s9 =	sor.u32 $0xD0000000, s2;
	s6 =	simm.s32 $0x108;
	_ =	swait.ge @!p0 [sflag:s8], $0x0  }
0x24: {  	s3 =	sadd.s32 $0x88, s3;
	s6 =	simm.s32 @!p1 $0x1082;
	[sflag:s4] =	ssyncset.s32 $0xFFFFF086  }
0x25: {  	[simem:s6], [sflag:s4] =	dma.local [hbm:s3], $0xF7A  }
0x26: {  	[smem:$0x3F95] =	sst s1;
	(tag) =	ssettag s2;
	_ =	strace s9  }
0x27: {  	s1 =	sld [smem:$0x3FA5]  }
0x28: {  	s2 =	sld [smem:$0x3FA6]  }
0x29: {  	s4 =	sld [smem:$0x3FA8]  }
0x2a: {  	p0 =	seq.s32 s5, $0x0;
	s5 =	sld [smem:$0x3FA9]  }
0x2b: {  	s6 =	sld [smem:$0x3FAA]  }
0x2c: {  	s7 =	sld [smem:$0x3FAB]  }
0x2d: {  	s3 =	simm.s32 $0x108;
	s8 =	sld [smem:$0x3FAC]  }
0x2e: {  	s3 =	simm.s32 @!p0 $0x1082;
	s9 =	sld [smem:$0x3FAD]  }
0x2f: {  	lr =	sadd.s32 s0, s3;
	s0 =	sld [smem:$0x3FA4]  }
0x30: {  	s3 =	sld [smem:$0x3FA7]  }
0x31: {  	[smem:$0x3FB0] =	sst s10  }
0x32: {  	s10 =	sld [smem:$0x3FAE];
	_ =	sdelay $0x3  }
0x33: {  	p0 =	seq.s32 s10, $0x1;
	s10 =	sld [smem:$0x3FB0];
	_ =	sdelay $0x3  }
0x34: {  	[smem:$0x3FB0] =	sst s10  }
0x35: {  	s10 =	sld [smem:$0x3FAF];
	_ =	sdelay $0x3  }
0x36: {  	p1 =	seq.s32 s10, $0x1;
	s10 =	sld [smem:$0x3FB0];
	_ =	sdelay $0x3  }
0x37: {  	[smem:$0x3FB0] =	sst s10  }
0x38: {  	s10 =	sld [smem:$0x3FB1]  }
0x39: {  	_ = 	snop;
	(pc) =	sbr.ind lr, $3  }
0x3a: {  	_ = 	snop  }
0x3b: {  	_ = 	snop  }
0x3c: {  	p2 =	seq.s32 s10, $0x1;
	s10 =	sld [smem:$0x3FB0]  }
0x3d: {  	_ =	shalt  }
0x3e: {  	_ =	shalt  }
0x3f: {  	_ =	shalt  }
0x40: {  	_ =	shalt  }
0x41: {  	_ =	shalt  }
0x42: {  	_ =	shalt  }
0x43: {  	_ =	shalt  }
0x44: {  	_ =	shalt  }
0x45: {  	_ =	shalt  }
0x46: {  	_ =	shalt  }
0x47: {  	_ =	shalt  }
0x48: {  	_ =	shalt  }
0x49: {  	_ =	shalt  }
0x4a: {  	_ =	shalt  }
0x4b: {  	_ =	shalt  }
0x4c: {  	_ =	shalt  }
0x4d: {  	_ =	shalt  }
0x4e: {  	_ =	shalt  }
0x4f: {  	_ =	shalt  }
0x50: {  	_ =	shalt  }
0x51: {  	_ =	shalt  }
0x52: {  	_ =	shalt  }
0x53: {  	_ =	shalt  }
0x54: {  	_ =	shalt  }
0x55: {  	_ =	shalt  }
0x56: {  	_ =	shalt  }
0x57: {  	_ =	shalt  }
0x58: {  	_ =	shalt  }
0x59: {  	_ =	shalt  }
0x5a: {  	_ =	shalt  }
0x5b: {  	_ =	shalt  }
0x5c: {  	_ =	shalt  }
0x5d: {  	_ =	shalt  }
0x5e: {  	_ =	shalt  }
0x5f: {  	_ =	shalt  }
0x60: {  	_ =	shalt  }
0x61: {  	_ =	shalt  }
0x62: {  	_ =	shalt  }
0x63: {  	_ =	shalt  }
0x64: {  	_ =	shalt  }
0x65: {  	_ =	shalt  }
0x66: {  	_ =	shalt  }
0x67: {  	_ =	shalt  }
0x68: {  	_ =	shalt  }
0x69: {  	_ =	shalt  }
0x6a: {  	_ =	shalt  }
0x6b: {  	_ =	shalt  }
0x6c: {  	_ =	shalt  }
0x6d: {  	_ =	shalt  }
0x6e: {  	_ =	shalt  }
0x6f: {  	_ =	shalt  }
0x70: {  	_ =	shalt  }
0x71: {  	_ =	shalt  }
0x72: {  	_ =	shalt  }
0x73: {  	_ =	shalt  }
0x74: {  	_ =	shalt  }
0x75: {  	_ =	shalt  }
0x76: {  	_ =	shalt  }
0x77: {  	_ =	shalt  }
0x78: {  	_ =	shalt  }
0x79: {  	_ =	shalt  }
0x7a: {  	_ =	shalt  }
0x7b: {  	_ =	shalt  }
0x7c: {  	_ =	shalt  }
0x7d: {  	_ =	shalt  }
0x7e: {  	_ =	shalt  }
0x7f: {  	_ =	shalt  }
0x80: {  	_ =	shalt  }
0x81: {  	_ =	shalt  }
0x82: {  	_ =	shalt  }
0x83: {  	_ =	shalt  }
0x84: {  	_ =	shalt  }
0x85: {  	_ =	shalt  }
0x86: {  	_ =	shalt  }
0x87: {  	_ =	shalt  }
.Lfunc_end0:
.L_simem_size_0:
called_computation.2_lowered:
.L_overlay_start_0:
0x88: {  	s2 =	sld [smem:$0x3FD9]  }
0x89: {  	s3 =	sld [smem:$0x3FFE];
	_ =	sdelay $0x1  }
0x8a: {  	s1 =	srdreg.scid  }
0x8b: {  	s0 =	sand.u32 $0x1, s1  }
0x8c: {  	s17 =	sshll.u32 s0, $0xA;
	s2 =	sadd.s32 s3, s2  }
0x8d: {  	s2 =	sadd.s32 s2, s17  }
0x8e: {  	[smem:$0x3FBC] =	sst s2  }
0x8f: {  	_ = 	snop  }
0x90: {  	s2 =	sld [smem:$0x3FD0];
	(tm) =	ssettm $0x1  }
0x91: {  	s18 =	sld [smem:$0x3FFB];
	_ =	sdelay $0x3  }
0x92: {  	_ =	strace s18  }
0x93: {  	s3 =	sld [smem:$0x3FFC];
	_ =	sdelay $0x3  }
0x94: {  	_ =	strace s3  }
0x95: {  	s3 =	sld [smem:$0x3FFD];
	_ =	sdelay $0x3  }
0x96: {  	_ =	strace s3  }
0x97: {  	_ =	strace $0x8FFFFFFF  }
0x98: {  	s19 =	sld [smem:$0x3FDB];
	_ =	sdelay $0x1  }
0x99: {  	s4 =	simm.s32 $_scs_section_size  }
0x9a: {  	s5 =	simm.s32 $_size__tile_overlayer_lowered;
	s6 =	simm.s32 $_tile_overlayer_lowered  }
0x9b: {  	s22 =	simm.s32 $0x1BFF;
	s21 =	sshll.u32 s6, $0x1;
	s3 =	sadd.s32 s4, s19  }
0x9c: {  	s7 =	simm.s32 $0x0;
	s20 =	sshll.u32 s5, $0x1;
	s5 =	sadd.s32 s21, s3  }
0x9d: {  	[timem:s7], [sflag:s22] =	dma.local [hbm:s5], s20  }
0x9e: {  	_ =	swait.ge [sflag:s22], s20  }
0x9f: {  	s4 =	ssub.s32 $0x0, s20;
	[sflag:s22] =	ssyncset.done $0x0  }
0xa0: {  	[sflag:s22] =	ssyncadd.s32 s4;
	_ =	sdelay $0x1  }
0xa1: {  	s23 =	simm.s32 $0x1B8B  }
0xa2: {  	_ =	swait.ge [sflag:s23], $0x1  }
0xa3: {  	[sflag:s23] =	ssyncset.done $0x0  }
0xa4: {  	s25 =	simm.s32 $0x1B8E;
	s24 =	sld [smem:$0x3FFE];
	[sflag:s23] =	ssyncadd.s32 $0xFFFFFFFF  }
0xa5: {  	s26 =	simm.s32 $execute0_lowered;
	[smem:$0x3FD2] =	sst s25  }
0xa6: {  	s5 =	sshll.u32 s26, $0x1;
	_ =	strace $0x8000004C;
	[dreg:$0x1] =	wrdreg $0xFFFFFFFF  }
0xa7: {  	s28 =	simm.s32 $_size_execute0_lowered;
	s3 =	sadd.s32 s3, s5;
	[dreg:$0x0] =	wrdreg $0x0  }
0xa8: {  	s5 =	sshll.u32 s28, $0x1;
	[dreg:$0x2] =	wrdreg s3  }
0xa9: {  	[dreg:$0x3] =	wrdreg s5  }
0xaa: {  	[dreg:$0x4] =	wrdreg $0xC0  }
0xab: {  	_ =	task [dreg:s7], $0x5FFFF  }
0xac: {  	[dreg:$0x1] =	wrdreg $0xFFFFFFFF  }
0xad: {  	[dreg:$0x0] =	wrdreg $0x60  }
0xae: {  	[dreg:$0x2] =	wrdreg s24  }
0xaf: {  	[dreg:$0x3] =	wrdreg s2  }
0xb0: {  	[dreg:$0x4] =	wrdreg $0x90000  }
0xb1: {  	[dreg:$0x5] =	wrdreg $0x9  }
0xb2: {  	_ =	task.clear_ibuf [dreg:s7], $0x6FFFF;
	_ =	strace $0x9000004C  }
0xb3: {  	s29 =	simm.s32 $0x9;
	_ =	strace $0x8000004E  }
0xb4: {  	_ =	swait.ge [sflag:s29], $0x1  }
0xb5: {  	[sflag:s29] =	ssyncadd.s32 $0xFFFFFFFF  }
0xb6: {  	_ =	strace $0x9000004E  }
0xb7: {  	_ =	sfence  }
0xb8: {  	s30 =	sld [smem:$0x0];
	_ =	sdelay $0x2  }
0xb9: {  	s31 =	sshll.u32 s1, $0xD;
	s1 =	sshrl.u32 s1, $0x2  }
0xba: {  	s3 =	sand.u32 $0x4000, s31;
	s1 =	sadd.s32 s1, s30  }
0xbb: {  	s0 =	sor.u32 s3, s0;
	s1 =	sshll.u32 s1, $0x11  }
0xbc: {  	s0 =	sor.u32 s1, s0  }
0xbd: {  	s0 =	sadd.s32 $0x8F2B, s0  }
0xbe: {  	[sflag:s0] =	ssyncadd.remote.s32 $0x1  }
0xbf: {  	_ =	sfence.sel $0xFFFF  }
0xc0: {  	[dreg:$0x0] =	wrdreg $0xFFFFFFFF;
	(pc) =	sbr.abs _section_cstart, $3  }
0xc1: {  	[dreg:$0x1] =	wrdreg $0xFFFFFFFF  }
0xc2: {  	_ =	task.clear_ibuf [dreg:s7], $0x2FFFF;
	_ =	strace $0x9FFFFFFF  }
0xc3: {  	(tm) =	ssettm $0x7FFFFFFF  }
tec
execute0_lowered:
.L_overlay_start_1:
0x0: {  	(tag) =	ssettag $0x1  }
0x1: {  	s1 =	stileid.u32  }
0x2: {  	s5 =	rddreg [dreg:$0x0];
	s9 =	smul.u32 $0x2800, s1  }
0x3: {  	s10 =	rddreg [dreg:$0x1];
	s11 =	smul.u32 $0x280, s1  }
0x4: {  	s6 =	srdreg.scid;
	s12 =	smul.u32 $0x50000, s1  }
0x5: {  	s2 =	rddreg [dreg:$0x2];
	s6 =	sand.u32 $0x1, s6;
	s26 =	smul.u32 $0x14000, s1  }
0x6: {  	s0 =	rddreg [dreg:$0x3];
	s3 =	simm.s32 $0x0;
	s14 =	smul.u32 $0x5000, s6  }
0x7: {  	[smem:$0x7FF] =	sst s3;
	s4 =	sadd.s32 $0xD200, s5;
	s24 =	smul.u32 $0x50000, s6  }
0x8: {  	s8 =	ssub.s32 $0x2, s6;
	s16 =	smul.u32 $0x280000, s6;
	s6 =	sshllo.u32 s6, $0x1  }
0x9: {  	s15 =	sadd.s32 $0xAD200, s5;
	s31 =	sshll.u32 s1, $0x6;
	s29 =	smul.u32 $0x2800, s6  }
0xa: {  	_ =	strace $0x8000004D;
	s7 =	sshrl.u32 s9, $0x3;
	s18 =	smul.u32 $0x28000, s6  }
0xb: {  	s13 =	sshrl.u32 s8, $0x1;
	s25 =	sshrl.u32 s12, $0x2;
	s19 =	smul.u32 $0x140000, s6  }
0xc: {  	s7 =	sadd.s32 s7, s5;
	s13 =	ssub.s32 s8, s13;
	s14 =	sadd.s32 s11, s14  }
0xd: {  	s17 =	sadd.s32 s25, s2;
	s8 =	sadd.s32 s9, s24;
	s16 =	sadd.s32 s26, s16  }
0xe: {  	s5 =	sadd.s32 $0x8200, s7;
	s28 =	sshll.u32 s14, $0x4;
	s8 =	sshrl.u32 s8, $0x3  }
0xf: {  	s16 =	sshrl.u32 s16, $0x3;
	s11 =	sadd.s32 s11, s29;
	s9 =	sadd.s32 s9, s18  }
0x10: {  	s12 =	sadd.s32 s26, s19;
	s14 =	simm.s32 $0x1;
	s18 =	simm.s32 $0x5000  }
0x11: {  	s19 =	simm.s32 $0x0;
	s6 =	sadd.s32 s4, s28;
	s7 =	sadd.s32 s10, s8  }
0x12: {  	s8 =	sadd.s32 s15, s16;
	s11 =	sshll.u32 s11, $0x4;
	s30 =	sshrl.u32 s9, $0x3  }
0x13: {  	s12 =	sshrl.u32 s12, $0x3;
	s16 =	sshrl.u32 s17, $0x3;
	s17 =	simm.s32 $0x80  }
0x14: {  	s9 =	sadd.s32 s4, s11;
	s10 =	sadd.s32 s10, s30;
	s11 =	sadd.s32 s15, s12  }
0x15: {  	s12 =	smax.u32 s13, $0x1;
	s13 =	simm.s32 $0x2800;
	s15 =	sor.u32 $0x1C01, s31  }
.LBB2_1:
0x16: {  	[tilespmem:s13], [sflag:$0x1] =	stream.linear.gather [hbm4b:s5+s3], $0x2780, $0x38;
	[tilespmem:$0x1D000] =	vst v63  }
0x17: {  	_ =	swait.ge [sflag:s14], $0x2780  }
0x18: {  	[sflag:s14] =	ssyncset.done $0x0  }
0x19: {  	[sflag:s14] =	ssyncadd.s32 $0xFFFFD880  }
0x1a: {  	[spmem:s16], [sflag:s15] =	dma.local [hbm:s6], $0x2800  }
0x1b: {  	_ =	swait.ge [sflag:s14], $0x2800  }
0x1c: {  	[sflag:s14] =	ssyncset.done $0x0  }
0x1d: {  	[sflag:s14] =	ssyncadd.s32 $0xFFFFD800  }
0x1e: {  	[tilespmem:s3], [sflag:$0x1] =	stream.linear.gather [hbm4b:s7+s3], $0x2780, $0x38;
	[tilespmem:$0x1D000] =	vst v63  }
0x1f: {  	_ =	swait.ge [sflag:s14], $0x2780  }
0x20: {  	[sflag:s14] =	ssyncset.done $0x0  }
0x21: {  	[sflag:s14] =	ssyncadd.s32 $0xFFFFD880  }
0x22: {  	[bflag:$0x0] =	sbarrier.arrive $0xFFFF  }
0x23: {  	_ =	sdelay $0x7ff  }
0x24: {  	_ =	sdelay $0x36b  }
0x25: {  	s20 =	simm.s32 $0x0;
	[bflag:$0x0] =	sbarrier.arrive $0xFFFF  }
0x26: {  	[tilespmem:s18], [sflag:$0x1] =	stream.indirect.gather [hbm4b:s4+s17], $0x80, s20, s17, $0xb8;
	[tilespmem:$0x1D000] =	vst v63  }
0x27: {  	_ =	swait.ge [sflag:s14], $0x4000  }
0x28: {  	[sflag:s14] =	ssyncset.done $0x0  }
0x29: {  	s31 =	simm.s32 $0x2800;
	[sflag:s14] =	ssyncadd.s32 $0xFFFFC000  }
0x2a: {  	[spmem:s2] =	stream.indirect.scatter.add.f32 [tilespmem:s18], [sflag:$0x1], $0x80, s31, s17, $0xb8;
	[tilespmem:$0x1D000] =	vst v63  }
0x2b: {  	_ =	swait.ge [sflag:s14], $0x4000  }
0x2c: {  	s21 =	simm.s32 $0x400;
	s20 =	simm.s32 $0x200;
	[sflag:s14] =	ssyncset.done $0x0  }
.LBB2_2:
0x2d: {  	s22 =	sshra.s32 s20, $0x2  }
0x2e: {  	[sflag:s14] =	ssyncadd.s32 $0xFFFFC000;
	s20 =	smov.u32 s21;
	s23 =	sadd.s32 $0x200, s21  }
0x2f: {  	[tilespmem:s18], [sflag:$0x1] =	stream.indirect.gather [hbm4b:s4+s17], $0x80, s22, s17, $0xb8;
	[tilespmem:$0x1D000] =	vst v63  }
0x30: {  	p0 =	sne.s32 s21, $0x9C00;
	_ =	swait.ge [sflag:s14], $0x4000  }
.Ltmp0:
0x31: {  	[sflag:s14] =	ssyncset.done $0x0;
	(pc) =	sbr.rel @p0 .LBB2_2-.Ltmp0, $4  }
0x32: {  	s21 =	sadd.s32 $0x2800, s22;
	[sflag:s14] =	ssyncadd.s32 $0xFFFFC000  }
0x33: {  	[spmem:s2] =	stream.indirect.scatter.add.f32 [tilespmem:s18], [sflag:$0x1], $0x80, s21, s17, $0xb8;
	[tilespmem:$0x1D000] =	vst v63  }
0x34: {  	_ =	swait.ge [sflag:s14], $0x4000  }
0x35: {  	s21 =	smov.u32 s23;
	[sflag:s14] =	ssyncset.done $0x0  }
0x36: {  	s20 =	sshra.s32 s20, $0x2;
	[sflag:s14] =	ssyncadd.s32 $0xFFFFC000  }
0x37: {  	[tilespmem:s18], [sflag:$0x1] =	stream.indirect.gather [hbm4b:s4+s17], $0x80, s20, s17, $0xb8;
	[tilespmem:$0x1D000] =	vst v63  }
0x38: {  	_ =	swait.ge [sflag:s14], $0x4000  }
0x39: {  	[sflag:s14] =	ssyncset.done $0x0  }
0x3a: {  	s20 =	sadd.s32 $0x2800, s20;
	[sflag:s14] =	ssyncadd.s32 $0xFFFFC000  }
0x3b: {  	[spmem:s2] =	stream.indirect.scatter.add.f32 [tilespmem:s18], [sflag:$0x1], $0x80, s20, s17, $0xb8;
	[tilespmem:$0x1D000] =	vst v63  }
0x3c: {  	_ =	swait.ge [sflag:s14], $0x4000  }
0x3d: {  	[sflag:s14] =	ssyncset.done $0x0  }
0x3e: {  	[sflag:s14] =	ssyncadd.s32 $0xFFFFC000  }
0x3f: {  	[bflag:$0x0] =	sbarrier.arrive $0xFFFF  }
0x40: {  	_ =	sdelay $0x7ff  }
0x41: {  	_ =	sdelay $0x36b  }
0x42: {  	[bflag:$0x0] =	sbarrier.arrive $0xFFFF  }
0x43: {  	[hbm:s8], [sflag:s15] =	dma.local [spmem:s16], $0x2800  }
0x44: {  	_ =	swait.ge [sflag:s14], $0x2800  }
0x45: {  	[sflag:s14] =	ssyncset.done $0x0  }
0x46: {  	[sflag:s14] =	ssyncadd.s32 $0xFFFFD800  }
0x47: {  	[bflag:$0x0] =	sbarrier.arrive $0xFFFF  }
0x48: {  	[spmem:s16], [sflag:s15] =	dma.local [hbm:s9], $0x2800  }
0x49: {  	_ =	swait.ge [sflag:s14], $0x2800  }
0x4a: {  	[sflag:s14] =	ssyncset.done $0x0  }
0x4b: {  	s29 =	simm.s32 $0x0;
	[sflag:s14] =	ssyncadd.s32 $0xFFFFD800  }
0x4c: {  	[tilespmem:s29], [sflag:$0x1] =	stream.linear.gather [hbm4b:s10+s29], $0x2780, $0x38;
	[tilespmem:$0x1D000] =	vst v63  }
0x4d: {  	_ =	swait.ge [sflag:s14], $0x2780  }
0x4e: {  	[sflag:s14] =	ssyncset.done $0x0  }
0x4f: {  	[sflag:s14] =	ssyncadd.s32 $0xFFFFD880  }
0x50: {  	[bflag:$0x0] =	sbarrier.arrive $0xFFFF  }
0x51: {  	_ =	sdelay $0x7ff  }
0x52: {  	_ =	sdelay $0x36b  }
0x53: {  	s30 =	simm.s32 $0x0;
	[bflag:$0x0] =	sbarrier.arrive $0xFFFF  }
0x54: {  	[tilespmem:s18], [sflag:$0x1] =	stream.indirect.gather [hbm4b:s4+s17], $0x80, s30, s17, $0xb8;
	[tilespmem:$0x1D000] =	vst v63  }
0x55: {  	_ =	swait.ge [sflag:s14], $0x4000  }
0x56: {  	[sflag:s14] =	ssyncset.done $0x0  }
0x57: {  	s31 =	simm.s32 $0x2800;
	[sflag:s14] =	ssyncadd.s32 $0xFFFFC000  }
0x58: {  	[spmem:s2] =	stream.indirect.scatter.add.f32 [tilespmem:s18], [sflag:$0x1], $0x80, s31, s17, $0xb8;
	[tilespmem:$0x1D000] =	vst v63  }
0x59: {  	_ =	swait.ge [sflag:s14], $0x4000  }
0x5a: {  	s21 =	simm.s32 $0x400;
	s20 =	simm.s32 $0x200;
	[sflag:s14] =	ssyncset.done $0x0  }
.LBB2_4:
0x5b: {  	s22 =	sshra.s32 s20, $0x2  }
0x5c: {  	[sflag:s14] =	ssyncadd.s32 $0xFFFFC000;
	s20 =	smov.u32 s21;
	s23 =	sadd.s32 $0x200, s21  }
0x5d: {  	[tilespmem:s18], [sflag:$0x1] =	stream.indirect.gather [hbm4b:s4+s17], $0x80, s22, s17, $0xb8;
	[tilespmem:$0x1D000] =	vst v63  }
0x5e: {  	p0 =	sne.s32 s21, $0x9C00;
	_ =	swait.ge [sflag:s14], $0x4000  }
.Ltmp1:
0x5f: {  	[sflag:s14] =	ssyncset.done $0x0;
	(pc) =	sbr.rel @p0 .LBB2_4-.Ltmp1, $4  }
0x60: {  	s21 =	sadd.s32 $0x2800, s22;
	[sflag:s14] =	ssyncadd.s32 $0xFFFFC000  }
0x61: {  	[spmem:s2] =	stream.indirect.scatter.add.f32 [tilespmem:s18], [sflag:$0x1], $0x80, s21, s17, $0xb8;
	[tilespmem:$0x1D000] =	vst v63  }
0x62: {  	_ =	swait.ge [sflag:s14], $0x4000  }
0x63: {  	s21 =	smov.u32 s23;
	[sflag:s14] =	ssyncset.done $0x0  }
0x64: {  	s20 =	sshra.s32 s20, $0x2;
	[sflag:s14] =	ssyncadd.s32 $0xFFFFC000  }
0x65: {  	[tilespmem:s18], [sflag:$0x1] =	stream.indirect.gather [hbm4b:s4+s17], $0x80, s20, s17, $0xb8;
	[tilespmem:$0x1D000] =	vst v63  }
0x66: {  	_ =	swait.ge [sflag:s14], $0x4000  }
0x67: {  	[sflag:s14] =	ssyncset.done $0x0  }
0x68: {  	s20 =	sadd.s32 $0x2800, s20;
	[sflag:s14] =	ssyncadd.s32 $0xFFFFC000  }
0x69: {  	[spmem:s2] =	stream.indirect.scatter.add.f32 [tilespmem:s18], [sflag:$0x1], $0x80, s20, s17, $0xb8;
	[tilespmem:$0x1D000] =	vst v63  }
0x6a: {  	_ =	swait.ge [sflag:s14], $0x4000  }
0x6b: {  	[sflag:s14] =	ssyncset.done $0x0  }
0x6c: {  	[sflag:s14] =	ssyncadd.s32 $0xFFFFC000  }
0x6d: {  	[bflag:$0x0] =	sbarrier.arrive $0xFFFF  }
0x6e: {  	s19 =	sadd.s32 $0x1, s19;
	_ =	sdelay $0x7ff  }
0x6f: {  	p0 =	sne.s32 s19, s12;
	_ =	sdelay $0x36b  }
.Ltmp2:
0x70: {  	[bflag:$0x0] =	sbarrier.arrive $0xFFFF;
	(pc) =	sbr.rel @p0 .LBB2_1-.Ltmp2, $4  }
0x71: {  	[hbm:s11], [sflag:s15] =	dma.local [spmem:s16], $0x2800  }
0x72: {  	_ =	swait.ge [sflag:s14], $0x2800  }
0x73: {  	[sflag:s14] =	ssyncset.done $0x0  }
0x74: {  	[sflag:s14] =	ssyncadd.s32 $0xFFFFD800  }
0x75: {  	_ =	sfence.sel $0x180000  }
0x76: {  	[bflag:$0x0] =	sbarrier.arrive $0xFFFF  }
0x77: {  	p0 =	sne.s32 s1, $0x0;
	_ =	strace $0x9000004D  }
0x78: {  	s0 =	sadd.s32 @!p0 $0x100000, s0;
	[bflag:$0x2] =	sbarrier.arrive $0xFFFF  }
0x79: {  	[sflag:s0] =	ssyncadd.tile.s32 @!p0 $0x1;
	_ =	shalt  }
.Lfunc_end2:
_tile_overlayer_lowered:
.L_overlay_start_2:
0x7a: {  	(tag) =	ssettag $0x2  }
0x7b: {  	s0 =	rddreg [dreg:$0x0];
	s2 =	stileid.u32  }
0x7c: {  	s1 =	rddreg [dreg:$0x1];
	p0 =	sne.s32 s2, $0x0  }
0x7d: {  	s3 =	rddreg [dreg:$0x2];
	[bflag:$0x3] =	sbarrier.arrive $0xFFFF;
	s2 =	simm.s32 @!p0 $0x1C01  }
0x7e: {  	[timem:s3], [sflag:s2] =	dma.local @!p0 [hbm:s0], s1  }
0x7f: {  	s0 =	simm.s32 @!p0 $0x1  }
0x80: {  	_ =	swait.ge @!p0 [sflag:s0], s1  }
0x81: {  	s1 =	ssub.s32 @!p0 $0x0, s1;
	[sflag:s0] =	ssyncset.done @!p0 $0x0  }
0x82: {  	[sflag:s0] =	ssyncadd.s32 @!p0 s1  }
0x83: {  	[bflag:$0x3] =	sbarrier.arrive $0xFFFF  }
0x84: {  	_ =	shalt  }

// kernel: kernel.20.cloned.1.call-start
scs
__scs_entry_jumppad:
0x0: {  	(pc) =	sbr.rel $0x88, $3  }
0x1: {  	(tag) =	ssettag $0x0;
	lr =	simm.s32 $0x1  }
0x2: {  	[smem:$0x3F95] =	sst lr;
	_ =	strace $0xD0000000  }
0x3: {  	_ = 	snop  }
0x4: {  	_ = 	snop  }
0x5: {  	_ = 	snop  }
0x6: {  	_ = 	snop  }
0x7: {  	_ = 	snop  }
__scs_overlays_trampoline_lowered:
0x8: {  	[smem:$0x3FA4] =	sst s0  }
0x9: {  	[smem:$0x3FA5] =	sst s1  }
0xa: {  	[smem:$0x3FA6] =	sst s2  }
0xb: {  	[smem:$0x3FA7] =	sst s3  }
0xc: {  	[smem:$0x3FA8] =	sst s4  }
0xd: {  	[smem:$0x3FA9] =	sst s5  }
0xe: {  	[smem:$0x3FAA] =	sst s6  }
0xf: {  	[smem:$0x3FAB] =	sst s7  }
0x10: {  	[smem:$0x3FAC] =	sst s8  }
0x11: {  	[smem:$0x3FAD] =	sst s9;
	s0 =	simm.s32 @!p0 $0x0  }
0x12: {  	s1 =	sld [smem:$0x3F93];
	s0 =	simm.s32 @p0 $0x1  }
0x13: {  	[smem:$0x3FAE] =	sst s0;
	s0 =	simm.s32 @!p1 $0x0  }
0x14: {  	s2 =	sld [smem:$0x3F92];
	s0 =	simm.s32 @p1 $0x1  }
0x15: {  	[smem:$0x3FAF] =	sst s0;
	s0 =	simm.s32 @!p2 $0x0  }
0x16: {  	s3 =	sld [smem:$0x3FDB];
	s0 =	simm.s32 @p2 $0x1  }
0x17: {  	s4 =	simm.s32 $0x1BF5;
	[smem:$0x3FB1] =	sst s0  }
0x18: {  	s0 =	sld [smem:$0x3F94];
	_ =	swait.ge [sflag:s4], $0x0  }
0x19: {  	s7 =	sld [smem:$0x3F95]  }
0x1a: {  	s8 =	sadd.s32 $0xFFFFE003, lr  }
0x1b: {  	s9 =	sadd.s32 $0xFFFFFEF7, lr;
	s5 =	simm.s32 $0xFFFFFFFF;
	p2 =	slt.u32 s8, $0xFFFFF086  }
0x1c: {  	p1 =	slt.u32 s9, $0xF7A;
	s5 =	simm.s32 @!p2 $0x0  }
0x1d: {  	s5 =	simm.s32 @p1 $0x1;
	p0 =	seq.s32 s7, s2  }
0x1e: {  	s7 =	smul.u32 @!p0 $0xF7A, s2;
	p2 =	seq.s32 @!p0 s5, $0x0  }
0x1f: {  	s9 =	smul.u32 $0xF7A, s1;
	s8 =	simm.s32 @!p0 $0x1BF5;
	p2 =	por !p2, p0  }
0x20: {  	[sflag:s8] =	ssyncset.s32 @!p0 $0xFFFFF086;
	s6 =	sadd.s32 @!p0 s3, s7;
	s7 =	simm.s32 @!p0 $0x108  }
0x21: {  	s3 =	sadd.s32 s3, s9;
	s6 =	sadd.s32 @!p0 $0x88, s6;
	s7 =	simm.s32 @p2 $0x1082  }
0x22: {  	[simem:s7], [sflag:s8] =	dma.local @!p0 [hbm:s6], $0xF7A  }
0x23: {  	s9 =	sor.u32 $0xD0000000, s2;
	s6 =	simm.s32 $0x108;
	_ =	swait.ge @!p0 [sflag:s8], $0x0  }
0x24: {  	s3 =	sadd.s32 $0x88, s3;
	s6 =	simm.s32 @!p1 $0x1082;
	[sflag:s4] =	ssyncset.s32 $0xFFFFF086  }
0x25: {  	[simem:s6], [sflag:s4] =	dma.local [hbm:s3], $0xF7A  }
0x26: {  	[smem:$0x3F95] =	sst s1;
	(tag) =	ssettag s2;
	_ =	strace s9  }
0x27: {  	s1 =	sld [smem:$0x3FA5]  }
0x28: {  	s2 =	sld [smem:$0x3FA6]  }
0x29: {  	s4 =	sld [smem:$0x3FA8]  }
0x2a: {  	p0 =	seq.s32 s5, $0x0;
	s5 =	sld [smem:$0x3FA9]  }
0x2b: {  	s6 =	sld [smem:$0x3FAA]  }
0x2c: {  	s7 =	sld [smem:$0x3FAB]  }
0x2d: {  	s3 =	simm.s32 $0x108;
	s8 =	sld [smem:$0x3FAC]  }
0x2e: {  	s3 =	simm.s32 @!p0 $0x1082;
	s9 =	sld [smem:$0x3FAD]  }
0x2f: {  	lr =	sadd.s32 s0, s3;
	s0 =	sld [smem:$0x3FA4]  }
0x30: {  	s3 =	sld [smem:$0x3FA7]  }
0x31: {  	[smem:$0x3FB0] =	sst s10  }
0x32: {  	s10 =	sld [smem:$0x3FAE];
	_ =	sdelay $0x3  }
0x33: {  	p0 =	seq.s32 s10, $0x1;
	s10 =	sld [smem:$0x3FB0];
	_ =	sdelay $0x3  }
0x34: {  	[smem:$0x3FB0] =	sst s10  }
0x35: {  	s10 =	sld [smem:$0x3FAF];
	_ =	sdelay $0x3  }
0x36: {  	p1 =	seq.s32 s10, $0x1;
	s10 =	sld [smem:$0x3FB0];
	_ =	sdelay $0x3  }
0x37: {  	[smem:$0x3FB0] =	sst s10  }
0x38: {  	s10 =	sld [smem:$0x3FB1]  }
0x39: {  	_ = 	snop;
	(pc) =	sbr.ind lr, $3  }
0x3a: {  	_ = 	snop  }
0x3b: {  	_ = 	snop  }
0x3c: {  	p2 =	seq.s32 s10, $0x1;
	s10 =	sld [smem:$0x3FB0]  }
0x3d: {  	_ =	shalt  }
0x3e: {  	_ =	shalt  }
0x3f: {  	_ =	shalt  }
0x40: {  	_ =	shalt  }
0x41: {  	_ =	shalt  }
0x42: {  	_ =	shalt  }
0x43: {  	_ =	shalt  }
0x44: {  	_ =	shalt  }
0x45: {  	_ =	shalt  }
0x46: {  	_ =	shalt  }
0x47: {  	_ =	shalt  }
0x48: {  	_ =	shalt  }
0x49: {  	_ =	shalt  }
0x4a: {  	_ =	shalt  }
0x4b: {  	_ =	shalt  }
0x4c: {  	_ =	shalt  }
0x4d: {  	_ =	shalt  }
0x4e: {  	_ =	shalt  }
0x4f: {  	_ =	shalt  }
0x50: {  	_ =	shalt  }
0x51: {  	_ =	shalt  }
0x52: {  	_ =	shalt  }
0x53: {  	_ =	shalt  }
0x54: {  	_ =	shalt  }
0x55: {  	_ =	shalt  }
0x56: {  	_ =	shalt  }
0x57: {  	_ =	shalt  }
0x58: {  	_ =	shalt  }
0x59: {  	_ =	shalt  }
0x5a: {  	_ =	shalt  }
0x5b: {  	_ =	shalt  }
0x5c: {  	_ =	shalt  }
0x5d: {  	_ =	shalt  }
0x5e: {  	_ =	shalt  }
0x5f: {  	_ =	shalt  }
0x60: {  	_ =	shalt  }
0x61: {  	_ =	shalt  }
0x62: {  	_ =	shalt  }
0x63: {  	_ =	shalt  }
0x64: {  	_ =	shalt  }
0x65: {  	_ =	shalt  }
0x66: {  	_ =	shalt  }
0x67: {  	_ =	shalt  }
0x68: {  	_ =	shalt  }
0x69: {  	_ =	shalt  }
0x6a: {  	_ =	shalt  }
0x6b: {  	_ =	shalt  }
0x6c: {  	_ =	shalt  }
0x6d: {  	_ =	shalt  }
0x6e: {  	_ =	shalt  }
0x6f: {  	_ =	shalt  }
0x70: {  	_ =	shalt  }
0x71: {  	_ =	shalt  }
0x72: {  	_ =	shalt  }
0x73: {  	_ =	shalt  }
0x74: {  	_ =	shalt  }
0x75: {  	_ =	shalt  }
0x76: {  	_ =	shalt  }
0x77: {  	_ =	shalt  }
0x78: {  	_ =	shalt  }
0x79: {  	_ =	shalt  }
0x7a: {  	_ =	shalt  }
0x7b: {  	_ =	shalt  }
0x7c: {  	_ =	shalt  }
0x7d: {  	_ =	shalt  }
0x7e: {  	_ =	shalt  }
0x7f: {  	_ =	shalt  }
0x80: {  	_ =	shalt  }
0x81: {  	_ =	shalt  }
0x82: {  	_ =	shalt  }
0x83: {  	_ =	shalt  }
0x84: {  	_ =	shalt  }
0x85: {  	_ =	shalt  }
0x86: {  	_ =	shalt  }
0x87: {  	_ =	shalt  }
.Lfunc_end0:
.L_simem_size_0:
called_computation.3_lowered:
.L_overlay_start_0:
0x88: {  	s2 =	sld [smem:$0x3FD9]  }
0x89: {  	s3 =	sld [smem:$0x3FFE];
	_ =	sdelay $0x1  }
0x8a: {  	s1 =	srdreg.scid  }
0x8b: {  	s0 =	sand.u32 $0x1, s1  }
0x8c: {  	s16 =	sshll.u32 s0, $0xA;
	s2 =	sadd.s32 s3, s2  }
0x8d: {  	s2 =	sadd.s32 s2, s16  }
0x8e: {  	[smem:$0x3FBC] =	sst s2  }
0x8f: {  	_ = 	snop  }
0x90: {  	(tm) =	ssettm $0x1  }
0x91: {  	s17 =	sld [smem:$0x3FFB];
	_ =	sdelay $0x3  }
0x92: {  	_ =	strace s17  }
0x93: {  	s2 =	sld [smem:$0x3FFC];
	_ =	sdelay $0x3  }
0x94: {  	_ =	strace s2  }
0x95: {  	s2 =	sld [smem:$0x3FFD];
	_ =	sdelay $0x3  }
0x96: {  	_ =	strace s2  }
0x97: {  	_ =	strace $0x8FFFFFFF  }
0x98: {  	s18 =	sld [smem:$0x3FDB];
	_ =	sdelay $0x1  }
0x99: {  	s19 =	simm.s32 $_scs_section_size  }
0x9a: {  	s4 =	simm.s32 $_size__tile_overlayer_lowered;
	s5 =	simm.s32 $_tile_overlayer_lowered  }
0x9b: {  	s22 =	simm.s32 $0x1BFF;
	s21 =	sshll.u32 s5, $0x1;
	s2 =	sadd.s32 s19, s18  }
0x9c: {  	s6 =	simm.s32 $0x0;
	s20 =	sshll.u32 s4, $0x1;
	s4 =	sadd.s32 s21, s2  }
0x9d: {  	[timem:s6], [sflag:s22] =	dma.local [hbm:s4], s20  }
0x9e: {  	_ =	swait.ge [sflag:s22], s20  }
0x9f: {  	s3 =	ssub.s32 $0x0, s20;
	[sflag:s22] =	ssyncset.done $0x0  }
0xa0: {  	[sflag:s22] =	ssyncadd.s32 s3;
	_ =	sdelay $0x1  }
0xa1: {  	s23 =	simm.s32 $0x1B8B  }
0xa2: {  	_ =	swait.ge [sflag:s23], $0x1  }
0xa3: {  	[sflag:s23] =	ssyncset.done $0x0  }
0xa4: {  	s25 =	simm.s32 $0x1B8E;
	s24 =	sld [smem:$0x3FFE];
	[sflag:s23] =	ssyncadd.s32 $0xFFFFFFFF  }
0xa5: {  	s26 =	simm.s32 $execute0_lowered;
	[smem:$0x3FD2] =	sst s25  }
0xa6: {  	s4 =	sshll.u32 s26, $0x1;
	_ =	strace $0x8000004F;
	[dreg:$0x1] =	wrdreg $0xFFFFFFFF  }
0xa7: {  	s28 =	simm.s32 $_size_execute0_lowered;
	s2 =	sadd.s32 s2, s4;
	[dreg:$0x0] =	wrdreg $0x0  }
0xa8: {  	s4 =	sshll.u32 s28, $0x1;
	[dreg:$0x2] =	wrdreg s2  }
0xa9: {  	[dreg:$0x3] =	wrdreg s4  }
0xaa: {  	[dreg:$0x4] =	wrdreg $0xC0  }
0xab: {  	_ =	task [dreg:s6], $0x5FFFF  }
0xac: {  	[dreg:$0x1] =	wrdreg $0xFFFFFFFF  }
0xad: {  	[dreg:$0x0] =	wrdreg $0x60  }
0xae: {  	[dreg:$0x2] =	wrdreg s24  }
0xaf: {  	[dreg:$0x3] =	wrdreg $0x90000  }
0xb0: {  	[dreg:$0x4] =	wrdreg $0x9  }
0xb1: {  	_ =	task.clear_ibuf [dreg:s6], $0x5FFFF;
	_ =	strace $0x9000004F  }
0xb2: {  	s29 =	simm.s32 $0x9;
	_ =	strace $0x80000051  }
0xb3: {  	_ =	swait.ge [sflag:s29], $0x1  }
0xb4: {  	[sflag:s29] =	ssyncadd.s32 $0xFFFFFFFF  }
0xb5: {  	_ =	strace $0x90000051  }
0xb6: {  	_ =	sfence  }
0xb7: {  	s30 =	sld [smem:$0x0];
	_ =	sdelay $0x2  }
0xb8: {  	s31 =	sshll.u32 s1, $0xD;
	s1 =	sshrl.u32 s1, $0x2  }
0xb9: {  	s3 =	sand.u32 $0x4000, s31;
	s1 =	sadd.s32 s1, s30  }
0xba: {  	s0 =	sor.u32 s3, s0;
	s1 =	sshll.u32 s1, $0x11  }
0xbb: {  	s0 =	sor.u32 s1, s0  }
0xbc: {  	s0 =	sadd.s32 $0x8F2B, s0  }
0xbd: {  	[sflag:s0] =	ssyncadd.remote.s32 $0x1  }
0xbe: {  	_ =	sfence.sel $0xFFFF  }
0xbf: {  	[dreg:$0x0] =	wrdreg $0xFFFFFFFF;
	(pc) =	sbr.abs _section_cstart, $3  }
0xc0: {  	[dreg:$0x1] =	wrdreg $0xFFFFFFFF  }
0xc1: {  	_ =	task.clear_ibuf [dreg:s6], $0x2FFFF;
	_ =	strace $0x9FFFFFFF  }
0xc2: {  	(tm) =	ssettm $0x7FFFFFFF  }
0xc3: {  	_ =	shalt  }
tec
execute0_lowered:
.L_overlay_start_1:
0x0: {  	(tag) =	ssettag $0x1  }
0x1: {  	s1 =	srdreg.scid  }
0x2: {  	s0 =	stileid.u32;
	s5 =	rddreg [dreg:$0x0]  }
0x3: {  	s2 =	rddreg [dreg:$0x1];
	s7 =	smul.u32 $0x2800, s0  }
0x4: {  	s3 =	simm.s32 $0x0;
	s14 =	simm.s32 $0x80;
	s11 =	smul.u32 $0x14000, s0  }
0x5: {  	s15 =	simm.s32 $0x5000;
	s6 =	sand.u32 $0x1, s1;
	s29 =	smul.u32 $0x50000, s0  }
0x6: {  	s16 =	simm.s32 $0x0;
	s1 =	rddreg [dreg:$0x2];
	s4 =	smul.u32 $0x28000, s6  }
0x7: {  	[smem:$0x7FF] =	sst s3;
	s9 =	smul.u32 $0x140000, s6;
	s6 =	ssub.s32 $0x2, s6  }
0x8: {  	s31 =	sshll.u32 s0, $0x6;
	_ =	strace $0x80000050;
	s30 =	sshrl.u32 s6, $0x1  }
0x9: {  	s8 =	sadd.s32 s7, s4;
	s4 =	sadd.s32 $0xD200, s5;
	s7 =	sshrl.u32 s7, $0x3  }
0xa: {  	s9 =	sadd.s32 s11, s9;
	s11 =	sshrl.u32 s29, $0x2;
	s12 =	ssub.s32 s6, s30  }
0xb: {  	s10 =	sshrl.u32 s8, $0x3;
	s7 =	sadd.s32 s7, s5;
	s9 =	sshrl.u32 s9, $0x3  }
0xc: {  	s13 =	sadd.s32 s11, s2;
	s6 =	sadd.s32 s4, s8;
	s11 =	simm.s32 $0x1  }
0xd: {  	s10 =	sadd.s32 s10, s5;
	s9 =	sadd.s32 s9, s5;
	s5 =	sadd.s32 $0x8200, s7  }
0xe: {  	s13 =	sshrl.u32 s13, $0x3;
	s7 =	sadd.s32 $0x14D200, s10;
	s8 =	sadd.s32 $0x5D200, s9  }
0xf: {  	s9 =	smax.u32 s12, $0x1;
	s10 =	simm.s32 $0x2800;
	s12 =	sor.u32 $0x1C01, s31  }
.LBB2_1:
0x10: {  	[tilespmem:s10], [sflag:$0x1] =	stream.linear.gather [hbm4b:s5+s3], $0x2780, $0x38;
	[tilespmem:$0x1D000] =	vst v63  }
0x11: {  	_ =	swait.ge [sflag:s11], $0x2780  }
0x12: {  	[sflag:s11] =	ssyncset.done $0x0  }
0x13: {  	[sflag:s11] =	ssyncadd.s32 $0xFFFFD880  }
0x14: {  	[spmem:s13], [sflag:s12] =	dma.local [hbm:s6], $0x2800  }
0x15: {  	_ =	swait.ge [sflag:s11], $0x2800  }
0x16: {  	[sflag:s11] =	ssyncset.done $0x0  }
0x17: {  	[sflag:s11] =	ssyncadd.s32 $0xFFFFD800  }
0x18: {  	[tilespmem:s3], [sflag:$0x1] =	stream.linear.gather [hbm4b:s7+s3], $0x2780, $0x38;
	[tilespmem:$0x1D000] =	vst v63  }
0x19: {  	_ =	swait.ge [sflag:s11], $0x2780  }
0x1a: {  	[sflag:s11] =	ssyncset.done $0x0  }
0x1b: {  	[sflag:s11] =	ssyncadd.s32 $0xFFFFD880  }
0x1c: {  	[bflag:$0x0] =	sbarrier.arrive $0xFFFF  }
0x1d: {  	_ =	sdelay $0x7ff  }
0x1e: {  	_ =	sdelay $0x36b  }
0x1f: {  	s17 =	simm.s32 $0x0;
	[bflag:$0x0] =	sbarrier.arrive $0xFFFF  }
0x20: {  	[tilespmem:s15], [sflag:$0x1] =	stream.indirect.gather [hbm4b:s4+s14], $0x80, s17, s14, $0xb8;
	[tilespmem:$0x1D000] =	vst v63  }
0x21: {  	_ =	swait.ge [sflag:s11], $0x4000  }
0x22: {  	[sflag:s11] =	ssyncset.done $0x0  }
0x23: {  	s31 =	simm.s32 $0x2800;
	[sflag:s11] =	ssyncadd.s32 $0xFFFFC000  }
0x24: {  	[spmem:s2] =	stream.indirect.scatter.add.f32 [tilespmem:s15], [sflag:$0x1], $0x80, s31, s14, $0xb8;
	[tilespmem:$0x1D000] =	vst v63  }
0x25: {  	_ =	swait.ge [sflag:s11], $0x4000  }
0x26: {  	s18 =	simm.s32 $0x400;
	s17 =	simm.s32 $0x200;
	[sflag:s11] =	ssyncset.done $0x0  }
.LBB2_2:
0x27: {  	s19 =	sshra.s32 s17, $0x2  }
0x28: {  	[sflag:s11] =	ssyncadd.s32 $0xFFFFC000;
	s17 =	smov.u32 s18;
	s20 =	sadd.s32 $0x200, s18  }
0x29: {  	[tilespmem:s15], [sflag:$0x1] =	stream.indirect.gather [hbm4b:s4+s14], $0x80, s19, s14, $0xb8;
	[tilespmem:$0x1D000] =	vst v63  }
0x2a: {  	p0 =	sne.s32 s18, $0x9C00;
	_ =	swait.ge [sflag:s11], $0x4000  }
.Ltmp0:
0x2b: {  	[sflag:s11] =	ssyncset.done $0x0;
	(pc) =	sbr.rel @p0 .LBB2_2-.Ltmp0, $4  }
0x2c: {  	s18 =	sadd.s32 $0x2800, s19;
	[sflag:s11] =	ssyncadd.s32 $0xFFFFC000  }
0x2d: {  	[spmem:s2] =	stream.indirect.scatter.add.f32 [tilespmem:s15], [sflag:$0x1], $0x80, s18, s14, $0xb8;
	[tilespmem:$0x1D000] =	vst v63  }
0x2e: {  	_ =	swait.ge [sflag:s11], $0x4000  }
0x2f: {  	s18 =	smov.u32 s20;
	[sflag:s11] =	ssyncset.done $0x0  }
0x30: {  	s17 =	sshra.s32 s17, $0x2;
	[sflag:s11] =	ssyncadd.s32 $0xFFFFC000  }
0x31: {  	[tilespmem:s15], [sflag:$0x1] =	stream.indirect.gather [hbm4b:s4+s14], $0x80, s17, s14, $0xb8;
	[tilespmem:$0x1D000] =	vst v63  }
0x32: {  	_ =	swait.ge [sflag:s11], $0x4000  }
0x33: {  	[sflag:s11] =	ssyncset.done $0x0  }
0x34: {  	s17 =	sadd.s32 $0x2800, s17;
	[sflag:s11] =	ssyncadd.s32 $0xFFFFC000  }
0x35: {  	[spmem:s2] =	stream.indirect.scatter.add.f32 [tilespmem:s15], [sflag:$0x1], $0x80, s17, s14, $0xb8;
	[tilespmem:$0x1D000] =	vst v63  }
0x36: {  	_ =	swait.ge [sflag:s11], $0x4000  }
0x37: {  	[sflag:s11] =	ssyncset.done $0x0  }
0x38: {  	[sflag:s11] =	ssyncadd.s32 $0xFFFFC000  }
0x39: {  	[bflag:$0x0] =	sbarrier.arrive $0xFFFF  }
0x3a: {  	s16 =	sadd.s32 $0x1, s16;
	_ =	sdelay $0x7ff  }
0x3b: {  	p0 =	sne.s32 s16, s9;
	_ =	sdelay $0x36b  }
.Ltmp1:
0x3c: {  	[bflag:$0x0] =	sbarrier.arrive $0xFFFF;
	(pc) =	sbr.rel @p0 .LBB2_1-.Ltmp1, $4  }
0x3d: {  	[hbm:s8], [sflag:s12] =	dma.local [spmem:s13], $0x2800  }
0x3e: {  	_ =	swait.ge [sflag:s11], $0x2800  }
0x3f: {  	[sflag:s11] =	ssyncset.done $0x0  }
0x40: {  	[sflag:s11] =	ssyncadd.s32 $0xFFFFD800  }
0x41: {  	_ =	sfence.sel $0x180000  }
0x42: {  	[bflag:$0x0] =	sbarrier.arrive $0xFFFF  }
0x43: {  	p0 =	sne.s32 s0, $0x0;
	_ =	strace $0x90000050  }
0x44: {  	s0 =	sadd.s32 @!p0 $0x100000, s1;
	[bflag:$0x2] =	sbarrier.arrive $0xFFFF  }
0x45: {  	[sflag:s0] =	ssyncadd.tile.s32 @!p0 $0x1;
	_ =	shalt  }
.Lfunc_end2:
_tile_overlayer_lowered:
.L_overlay_start_2:
0x46: {  	(tag) =	ssettag $0x2  }
0x47: {  	s0 =	rddreg [dreg:$0x0];
	s2 =	stileid.u32  }
0x48: {  	s1 =	rddreg [dreg:$0x1];
	p0 =	sne.s32 s2, $0x0  }
0x49: {  	s3 =	rddreg [dreg:$0x2];
	[bflag:$0x3] =	sbarrier.arrive $0xFFFF;
	s2 =	simm.s32 @!p0 $0x1C01  }
0x4a: {  	[timem:s3], [sflag:s2] =	dma.local @!p0 [hbm:s0], s1  }
0x4b: {  	s0 =	simm.s32 @!p0 $0x1  }
0x4c: {  	_ =	swait.ge @!p0 [sflag:s0], s1  }
0x4d: {  	s1 =	ssub.s32 @!p0 $0x0, s1;
	[sflag:s0] =	ssyncset.done @!p0 $0x0  }
0x4e: {  	[sflag:s0] =	ssyncadd.s32 @!p0 s1  }
0x4f: {  	[bflag:$0x3] =	sbarrier.arrive $0xFFFF  }
0x50: {  	_ =	shalt  }

</sc_bundles>
